<compile_context>
chip_gen: v7x
topology: tpu7x:2x2x1
jax: 0.10.2.dev20260603
libtpu: 0.0.44.dev20260713+nightly
codegen_flags: <defaults>
</compile_context>

<pallas_src>
import functools
import math

import jax
import jax.numpy as jnp
from jax import lax
from jax.experimental import pallas as pl
from jax.experimental.pallas import tpu as pltpu
from jax.experimental.pallas import tpu_sc as plsc

D_MODEL = 64
SCALE = math.sqrt(D_MODEL)


@functools.partial(jax.jit, static_argnames=("n_s", "n_b"))
def _emb_lookup(x_t, lut_pairs, n_s, n_b):
    info = plsc.get_sparse_core_info()
    nc, ns = info.num_cores, info.num_subcores
    nw = nc * ns
    bpw = n_b // nw
    mesh = plsc.VectorSubcoreMesh(core_axis_name="c", subcore_axis_name="s")

    @functools.partial(
        pl.kernel,
        mesh=mesh,
        out_type=jax.ShapeDtypeStruct((n_s, D_MODEL, n_b), jnp.float32),
        scratch_types=[
            pltpu.VMEM((n_s, bpw), jnp.int32),
            pltpu.VMEM((2, bpw), jnp.int32),
            pltpu.VMEM((2 * bpw, 128), jnp.float32),
            pltpu.VMEM((2 * D_MODEL, bpw), jnp.float32),
            pltpu.SemaphoreType.DMA((2,)),
            pltpu.SemaphoreType.DMA((2,)),
        ],
        compiler_params=pltpu.CompilerParams(
            needs_layout_passes=False, disable_bounds_checks=True
        ),
    )
    def k(xt_hbm, tbl_hbm, out_hbm, xv, pid_v, rows_v, out_v, sem_g, sem_w):
        wid = lax.axis_index("s") * nc + lax.axis_index("c")
        b0 = wid * bpw
        pltpu.sync_copy(xt_hbm.at[:, pl.ds(b0, bpw)], xv)
        iota16 = lax.iota(jnp.int32, 16)

        def compute_pid(s, buf):
            for g in range(bpw // 16):
                idx16 = xv[s, pl.ds(g * 16, 16)]
                pid_v[buf, pl.ds(g * 16, 16)] = idx16 >> 1

        def start_gather(buf):
            pltpu.async_copy(
                tbl_hbm.at[pid_v.at[buf]],
                rows_v.at[pl.ds(buf * bpw, bpw), :],
                sem_g.at[buf],
            )

        def wait_gather(buf):
            pltpu.make_async_copy(
                tbl_hbm.at[pid_v.at[buf]],
                rows_v.at[pl.ds(buf * bpw, bpw), :],
                sem_g.at[buf],
            ).wait()

        def start_write(s, buf):
            pltpu.async_copy(
                out_v.at[pl.ds(buf * D_MODEL, D_MODEL), :],
                out_hbm.at[s, :, pl.ds(b0, bpw)],
                sem_w.at[buf],
            )

        def wait_write(s, buf):
            pltpu.make_async_copy(
                out_v.at[pl.ds(buf * D_MODEL, D_MODEL), :],
                out_hbm.at[s, :, pl.ds(b0, bpw)],
                sem_w.at[buf],
            ).wait()

        def assemble(s, buf):
            for g in range(bpw // 16):
                idx16 = xv[s, pl.ds(g * 16, 16)]
                half = (idx16 & 1) << 6
                rows16 = (buf * bpw + g * 16) + iota16

                @plsc.parallel_loop(0, D_MODEL, unroll=8)
                def _dbody(d):
                    col16 = half + d
                    v = plsc.load_gather(rows_v, [rows16, col16])
                    out_v[buf * D_MODEL + d, pl.ds(g * 16, 16)] = v * SCALE

        compute_pid(0, 0)
        start_gather(0)

        def sbody(s, _):
            buf = s % 2
            nbuf = (s + 1) % 2

            @pl.when(s < n_s - 1)
            def _():
                compute_pid(s + 1, nbuf)
                start_gather(nbuf)

            wait_gather(buf)

            @pl.when(s >= 2)
            def _():
                wait_write(s - 2, buf)

            assemble(s, buf)
            start_write(s, buf)
            return 0

        lax.fori_loop(0, n_s, sbody, 0)
        wait_write(n_s - 2, 0)
        wait_write(n_s - 1, 1)

    return k(x_t, lut_pairs)


def kernel(x, lut):
    b, s = x.shape
    v, d = lut.shape
    x_t = jnp.transpose(x).astype(jnp.int32)
    lut_pairs = lut.reshape(v // 2, 2 * d)
    out3 = _emb_lookup(x_t, lut_pairs, s, b)
    return jnp.transpose(out3, (2, 0, 1))

# --- scband reference (transcript-rebuilt; emitter-appended) ---
"""Pipeline reference for scband-embeddings-52003464020355 (READ-ONLY COPY).

The authoritative reference and input builder live on the scoring server;
editing this copy changes nothing except your own understanding.
"""

import jax, jax.numpy as jnp
import numpy as np
import math

VOCAB = 1000000
D_MODEL = 64

def setup_inputs(seed: int = 0) -> dict:
    key = jax.random.key(seed)
    k1, k2 = jax.random.split(key)
    x = jax.random.randint(k1, (4096, 200), 0, VOCAB, dtype=jnp.int64 if jax.config.jax_enable_x64 else jnp.int32)
    lut = jax.random.normal(k2, (VOCAB, D_MODEL), dtype=jnp.float32)
    return {"x": x, "lut": lut}

def reference(x, lut):
    # Embeddings.forward: self.lut(x) * sqrt(d_model)
    emb = jnp.take(lut, x, axis=0)
    return emb * math.sqrt(D_MODEL)

if __name__ == "__main__":
    import jax
    _d = setup_inputs()
    print(jax.jit(kernel)(*tuple(_d.values())))

</pallas_src>

<mosaic_0001>
#map = affine_map<(d0, d1) -> (0, 0)>
#map1 = affine_map<(d0, d1) -> (0, 0, 0)>
module attributes {stable_mosaic.version = 14 : i64} {
  func.func @k(%arg0: i32, %arg1: i32, %arg2: memref<200x4096xi32, #tpu.memory_space<hbm>>, %arg3: memref<500000x128xf32, #tpu.memory_space<hbm>>, %arg4: memref<200x64x4096xf32, #tpu.memory_space<hbm>>, %arg5: memref<200x128xi32, #tpu.memory_space<vmem>>, %arg6: memref<2x128xi32, #tpu.memory_space<vmem>>, %arg7: memref<256x128xf32, #tpu.memory_space<vmem>>, %arg8: memref<128x128xf32, #tpu.memory_space<vmem>>, %arg9: memref<2x!tpu.dma_semaphore, #tpu.memory_space<semaphore_mem>>, %arg10: memref<2x!tpu.dma_semaphore, #tpu.memory_space<semaphore_mem>>) attributes {dimension_semantics = [#tpu.dimension_semantics<core_parallel>, #tpu.dimension_semantics<subcore_parallel>], iteration_bounds = array<i64: 2, 16>, scalar_prefetch = 0 : i64, scratch_operands = 6 : i64, tpu.core_type = #tpu.core_type<sc_vector_subcore>, window_params = [{transform_indices = #map}, {transform_indices = #map}, {transform_indices = #map1}]} {
    %mul3A = arith.constant 2 : i32
    %mul3A_0 = arith.muli %arg1, %mul3A : i32
    %add3A = arith.addi %mul3A_0, %arg0 : i32
    %mul3A_1 = arith.constant 128 : i32
    %mul3A_2 = arith.muli %add3A, %mul3A_1 : i32
    "tpu.region"() ({
      %run_scoped3A = tpu.sem_alloc : memref<!tpu.dma_semaphore, #tpu.memory_space<semaphore_mem>>
      %dma_start3A_137 = arith.constant 0 : i32
      %dma_start3A_138 = tpu.memref_slice %arg2[%dma_start3A_137, %mul3A_2] : memref<200x4096xi32, #tpu.memory_space<hbm>> -> memref<200x128xi32, #tpu.memory_space<hbm>>
      %dma_start3A_139 = arith.constant 0 : i32
      %dma_start3A_140 = tpu.memref_slice %arg2[%dma_start3A_139, %mul3A_2] : memref<200x4096xi32, #tpu.memory_space<hbm>> -> memref<200x128xi32, #tpu.memory_space<hbm>>
      tpu.enqueue_dma source(%dma_start3A_140 : memref<200x128xi32, #tpu.memory_space<hbm>>) target(%arg5 : memref<200x128xi32, #tpu.memory_space<vmem>>) target_semaphore(%run_scoped3A : memref<!tpu.dma_semaphore, #tpu.memory_space<semaphore_mem>>)
      %dma_wait3A_141 = arith.constant 0 : i32
      %dma_wait3A_142 = tpu.memref_slice %arg2[%dma_wait3A_141, %mul3A_2] : memref<200x4096xi32, #tpu.memory_space<hbm>> -> memref<200x128xi32, #tpu.memory_space<hbm>>
      %dma_wait3A_143 = arith.constant 0 : i32
      %dma_wait3A_144 = tpu.memref_slice %arg2[%dma_wait3A_143, %mul3A_2] : memref<200x4096xi32, #tpu.memory_space<hbm>> -> memref<200x128xi32, #tpu.memory_space<hbm>>
      tpu.wait_dma2 semaphore(%run_scoped3A : memref<!tpu.dma_semaphore, #tpu.memory_space<semaphore_mem>>) src(%dma_wait3A_144 : memref<200x128xi32, #tpu.memory_space<hbm>>) dst(%arg5 : memref<200x128xi32, #tpu.memory_space<vmem>>)
      tpu.yield
    }) : () -> ()
    %iota3A = tpu.iota {dimensions = array<i32: 0>} : vector<16xi32>
    %get3A = arith.constant 0 : i32
    %get3A_3 = arith.index_cast %get3A : i32 to index
    %get3A_4 = arith.constant 0 : index
    %get3A_5 = tpu.vector_load %arg5[%get3A_3, %get3A_4] {strides = array<i32>} : memref<200x128xi32, #tpu.memory_space<vmem>>, vector<16xi32>,
    %shift_right_arithmetic3A = arith.constant 1 : i32
    %shift_right_arithmetic3A_6 = vector.broadcast %shift_right_arithmetic3A : i32 to vector<16xi32>
    %shift_right_arithmetic3A_7 = arith.shrsi %get3A_5, %shift_right_arithmetic3A_6 : vector<16xi32>
    %swap3A = arith.constant 0 : i32
    %swap3A_8 = arith.index_cast %swap3A : i32 to index
    %swap3A_9 = arith.constant 0 : index
    %swap3A_10 = tpu.vector_load %arg6[%swap3A_8, %swap3A_9] {strides = array<i32>} : memref<2x128xi32, #tpu.memory_space<vmem>>, vector<16xi32>,
    tpu.vector_store %arg6[%swap3A_8, %swap3A_9], %shift_right_arithmetic3A_7 {strides = array<i32>} : memref<2x128xi32, #tpu.memory_space<vmem>>, vector<16xi32>,
    %get3A_11 = arith.constant 0 : i32
    %get3A_12 = arith.index_cast %get3A_11 : i32 to index
    %get3A_13 = arith.constant 16 : index
    %get3A_14 = tpu.vector_load %arg5[%get3A_12, %get3A_13] {strides = array<i32>} : memref<200x128xi32, #tpu.memory_space<vmem>>, vector<16xi32>,
    %shift_right_arithmetic3A_15 = arith.constant 1 : i32
    %shift_right_arithmetic3A_16 = vector.broadcast %shift_right_arithmetic3A_15 : i32 to vector<16xi32>
    %shift_right_arithmetic3A_17 = arith.shrsi %get3A_14, %shift_right_arithmetic3A_16 : vector<16xi32>
    %swap3A_18 = arith.constant 0 : i32
    %swap3A_19 = arith.index_cast %swap3A_18 : i32 to index
    %swap3A_20 = arith.constant 16 : index
    %swap3A_21 = tpu.vector_load %arg6[%swap3A_19, %swap3A_20] {strides = array<i32>} : memref<2x128xi32, #tpu.memory_space<vmem>>, vector<16xi32>,
    tpu.vector_store %arg6[%swap3A_19, %swap3A_20], %shift_right_arithmetic3A_17 {strides = array<i32>} : memref<2x128xi32, #tpu.memory_space<vmem>>, vector<16xi32>,
    %get3A_22 = arith.constant 0 : i32
    %get3A_23 = arith.index_cast %get3A_22 : i32 to index
    %get3A_24 = arith.constant 32 : index
    %get3A_25 = tpu.vector_load %arg5[%get3A_23, %get3A_24] {strides = array<i32>} : memref<200x128xi32, #tpu.memory_space<vmem>>, vector<16xi32>,
    %shift_right_arithmetic3A_26 = arith.constant 1 : i32
    %shift_right_arithmetic3A_27 = vector.broadcast %shift_right_arithmetic3A_26 : i32 to vector<16xi32>
    %shift_right_arithmetic3A_28 = arith.shrsi %get3A_25, %shift_right_arithmetic3A_27 : vector<16xi32>
    %swap3A_29 = arith.constant 0 : i32
    %swap3A_30 = arith.index_cast %swap3A_29 : i32 to index
    %swap3A_31 = arith.constant 32 : index
    %swap3A_32 = tpu.vector_load %arg6[%swap3A_30, %swap3A_31] {strides = array<i32>} : memref<2x128xi32, #tpu.memory_space<vmem>>, vector<16xi32>,
    tpu.vector_store %arg6[%swap3A_30, %swap3A_31], %shift_right_arithmetic3A_28 {strides = array<i32>} : memref<2x128xi32, #tpu.memory_space<vmem>>, vector<16xi32>,
    %get3A_33 = arith.constant 0 : i32
    %get3A_34 = arith.index_cast %get3A_33 : i32 to index
    %get3A_35 = arith.constant 48 : index
    %get3A_36 = tpu.vector_load %arg5[%get3A_34, %get3A_35] {strides = array<i32>} : memref<200x128xi32, #tpu.memory_space<vmem>>, vector<16xi32>,
    %shift_right_arithmetic3A_37 = arith.constant 1 : i32
    %shift_right_arithmetic3A_38 = vector.broadcast %shift_right_arithmetic3A_37 : i32 to vector<16xi32>
    %shift_right_arithmetic3A_39 = arith.shrsi %get3A_36, %shift_right_arithmetic3A_38 : vector<16xi32>
    %swap3A_40 = arith.constant 0 : i32
    %swap3A_41 = arith.index_cast %swap3A_40 : i32 to index
    %swap3A_42 = arith.constant 48 : index
    %swap3A_43 = tpu.vector_load %arg6[%swap3A_41, %swap3A_42] {strides = array<i32>} : memref<2x128xi32, #tpu.memory_space<vmem>>, vector<16xi32>,
    tpu.vector_store %arg6[%swap3A_41, %swap3A_42], %shift_right_arithmetic3A_39 {strides = array<i32>} : memref<2x128xi32, #tpu.memory_space<vmem>>, vector<16xi32>,
    %get3A_44 = arith.constant 0 : i32
    %get3A_45 = arith.index_cast %get3A_44 : i32 to index
    %get3A_46 = arith.constant 64 : index
    %get3A_47 = tpu.vector_load %arg5[%get3A_45, %get3A_46] {strides = array<i32>} : memref<200x128xi32, #tpu.memory_space<vmem>>, vector<16xi32>,
    %shift_right_arithmetic3A_48 = arith.constant 1 : i32
    %shift_right_arithmetic3A_49 = vector.broadcast %shift_right_arithmetic3A_48 : i32 to vector<16xi32>
    %shift_right_arithmetic3A_50 = arith.shrsi %get3A_47, %shift_right_arithmetic3A_49 : vector<16xi32>
    %swap3A_51 = arith.constant 0 : i32
    %swap3A_52 = arith.index_cast %swap3A_51 : i32 to index
    %swap3A_53 = arith.constant 64 : index
    %swap3A_54 = tpu.vector_load %arg6[%swap3A_52, %swap3A_53] {strides = array<i32>} : memref<2x128xi32, #tpu.memory_space<vmem>>, vector<16xi32>,
    tpu.vector_store %arg6[%swap3A_52, %swap3A_53], %shift_right_arithmetic3A_50 {strides = array<i32>} : memref<2x128xi32, #tpu.memory_space<vmem>>, vector<16xi32>,
    %get3A_55 = arith.constant 0 : i32
    %get3A_56 = arith.index_cast %get3A_55 : i32 to index
    %get3A_57 = arith.constant 80 : index
    %get3A_58 = tpu.vector_load %arg5[%get3A_56, %get3A_57] {strides = array<i32>} : memref<200x128xi32, #tpu.memory_space<vmem>>, vector<16xi32>,
    %shift_right_arithmetic3A_59 = arith.constant 1 : i32
    %shift_right_arithmetic3A_60 = vector.broadcast %shift_right_arithmetic3A_59 : i32 to vector<16xi32>
    %shift_right_arithmetic3A_61 = arith.shrsi %get3A_58, %shift_right_arithmetic3A_60 : vector<16xi32>
    %swap3A_62 = arith.constant 0 : i32
    %swap3A_63 = arith.index_cast %swap3A_62 : i32 to index
    %swap3A_64 = arith.constant 80 : index
    %swap3A_65 = tpu.vector_load %arg6[%swap3A_63, %swap3A_64] {strides = array<i32>} : memref<2x128xi32, #tpu.memory_space<vmem>>, vector<16xi32>,
    tpu.vector_store %arg6[%swap3A_63, %swap3A_64], %shift_right_arithmetic3A_61 {strides = array<i32>} : memref<2x128xi32, #tpu.memory_space<vmem>>, vector<16xi32>,
    %get3A_66 = arith.constant 0 : i32
    %get3A_67 = arith.index_cast %get3A_66 : i32 to index
    %get3A_68 = arith.constant 96 : index
    %get3A_69 = tpu.vector_load %arg5[%get3A_67, %get3A_68] {strides = array<i32>} : memref<200x128xi32, #tpu.memory_space<vmem>>, vector<16xi32>,
    %shift_right_arithmetic3A_70 = arith.constant 1 : i32
    %shift_right_arithmetic3A_71 = vector.broadcast %shift_right_arithmetic3A_70 : i32 to vector<16xi32>
    %shift_right_arithmetic3A_72 = arith.shrsi %get3A_69, %shift_right_arithmetic3A_71 : vector<16xi32>
    %swap3A_73 = arith.constant 0 : i32
    %swap3A_74 = arith.index_cast %swap3A_73 : i32 to index
    %swap3A_75 = arith.constant 96 : index
    %swap3A_76 = tpu.vector_load %arg6[%swap3A_74, %swap3A_75] {strides = array<i32>} : memref<2x128xi32, #tpu.memory_space<vmem>>, vector<16xi32>,
    tpu.vector_store %arg6[%swap3A_74, %swap3A_75], %shift_right_arithmetic3A_72 {strides = array<i32>} : memref<2x128xi32, #tpu.memory_space<vmem>>, vector<16xi32>,
    %get3A_77 = arith.constant 0 : i32
    %get3A_78 = arith.index_cast %get3A_77 : i32 to index
    %get3A_79 = arith.constant 112 : index
    %get3A_80 = tpu.vector_load %arg5[%get3A_78, %get3A_79] {strides = array<i32>} : memref<200x128xi32, #tpu.memory_space<vmem>>, vector<16xi32>,
    %shift_right_arithmetic3A_81 = arith.constant 1 : i32
    %shift_right_arithmetic3A_82 = vector.broadcast %shift_right_arithmetic3A_81 : i32 to vector<16xi32>
    %shift_right_arithmetic3A_83 = arith.shrsi %get3A_80, %shift_right_arithmetic3A_82 : vector<16xi32>
    %swap3A_84 = arith.constant 0 : i32
    %swap3A_85 = arith.index_cast %swap3A_84 : i32 to index
    %swap3A_86 = arith.constant 112 : index
    %swap3A_87 = tpu.vector_load %arg6[%swap3A_85, %swap3A_86] {strides = array<i32>} : memref<2x128xi32, #tpu.memory_space<vmem>>, vector<16xi32>,
    tpu.vector_store %arg6[%swap3A_85, %swap3A_86], %shift_right_arithmetic3A_83 {strides = array<i32>} : memref<2x128xi32, #tpu.memory_space<vmem>>, vector<16xi32>,
    %dma_start3A = arith.constant 0 : i32
    %dma_start3A_88 = arith.constant 0 : i32
    %dma_start3A_89 = arith.constant 0 : i32
    %dma_start3A_90 = arith.constant 0 : i32
    %dma_start3A_91 = tpu.memref_slice %arg7[%dma_start3A_89, %dma_start3A_90] : memref<256x128xf32, #tpu.memory_space<vmem>> -> memref<128x128xf32, #tpu.memory_space<vmem>>
    %dma_start3A_92 = arith.constant 0 : i32
    %dma_start3A_93 = tpu.memref_slice %arg6[%dma_start3A, %dma_start3A_92] : memref<2x128xi32, #tpu.memory_space<vmem>> -> memref<1x128xi32, #tpu.memory_space<vmem>>
    %dma_start3A_94 = tpu.memref_squeeze %dma_start3A_93 : memref<1x128xi32, #tpu.memory_space<vmem>> -> memref<128xi32, #tpu.memory_space<vmem>>
    %dma_start3A_95 = arith.constant 0 : i32
    %dma_start3A_96 = arith.constant 0 : i32
    %dma_start3A_97 = tpu.memref_slice %arg3[%dma_start3A_95, %dma_start3A_96] : memref<500000x128xf32, #tpu.memory_space<hbm>> -> memref<500000x128xf32, #tpu.memory_space<hbm>>
    %dma_start3A_98 = tpu.memref_slice %arg9[%dma_start3A_88] : memref<2x!tpu.dma_semaphore, #tpu.memory_space<semaphore_mem>> -> memref<1x!tpu.dma_semaphore, #tpu.memory_space<semaphore_mem>>
    %dma_start3A_99 = tpu.memref_squeeze %dma_start3A_98 : memref<1x!tpu.dma_semaphore, #tpu.memory_space<semaphore_mem>> -> memref<!tpu.dma_semaphore, #tpu.memory_space<semaphore_mem>>
    tpu.enqueue_indirect_dma source(%dma_start3A_97 : memref<500000x128xf32, #tpu.memory_space<hbm>>) target(%dma_start3A_91 : memref<128x128xf32, #tpu.memory_space<vmem>>) offsets(%dma_start3A_94 : memref<128xi32, #tpu.memory_space<vmem>>) semaphore(%dma_start3A_99 : memref<!tpu.dma_semaphore, #tpu.memory_space<semaphore_mem>>)
    %scan3A = arith.constant 0 : i32
    %scan3A_100 = arith.constant 0 : i32
    %scan3A_101 = arith.constant 200 : i32
    %scan3A_102 = arith.addi %scan3A_100, %scan3A_101 : i32
    %scan3A_103 = arith.constant 1 : i32
    %scan3A_104 = scf.for %scan3A_137 = %scan3A_100 to %scan3A_102 step %scan3A_103 iter_args(%scan3A_138 = %scan3A) -> (i32)  : i32 {
      %jit3A = arith.constant 2 : i32
      %eq3A = arith.constant 0 : i32
      %eq3A_139 = arith.cmpi eq, %jit3A, %eq3A : i32
      %jit3A_140 = arith.constant 1 : i32
      %select_n3A = arith.select %eq3A_139, %jit3A_140, %jit3A : i32
      %rem3A = arith.remsi %scan3A_137, %select_n3A : i32
      %ne3A = arith.constant 0 : i32
      %ne3A_141 = arith.cmpi ne, %rem3A, %ne3A : i32
      %lt3A = arith.constant 0 : i32
      %lt3A_142 = arith.cmpi slt, %rem3A, %lt3A : i32
      %lt3A_143 = arith.constant 0 : i32
      %lt3A_144 = arith.cmpi slt, %select_n3A, %lt3A_143 : i32
      %ne3A_145 = arith.xori %lt3A_142, %lt3A_144 : i1
      %and3A = arith.andi %ne3A_145, %ne3A_141 : i1
      %add3A_146 = arith.addi %rem3A, %select_n3A : i32
      %select_n3A_147 = arith.select %and3A, %add3A_146, %rem3A : i32
      %add3A_148 = arith.constant 1 : i32
      %add3A_149 = arith.addi %scan3A_137, %add3A_148 : i32
      %jit3A_150 = arith.constant 2 : i32
      %eq3A_151 = arith.constant 0 : i32
      %eq3A_152 = arith.cmpi eq, %jit3A_150, %eq3A_151 : i32
      %jit3A_153 = arith.constant 1 : i32
      %select_n3A_154 = arith.select %eq3A_152, %jit3A_153, %jit3A_150 : i32
      %rem3A_155 = arith.remsi %add3A_149, %select_n3A_154 : i32
      %ne3A_156 = arith.constant 0 : i32
      %ne3A_157 = arith.cmpi ne, %rem3A_155, %ne3A_156 : i32
      %lt3A_158 = arith.constant 0 : i32
      %lt3A_159 = arith.cmpi slt, %rem3A_155, %lt3A_158 : i32
      %lt3A_160 = arith.constant 0 : i32
      %lt3A_161 = arith.cmpi slt, %select_n3A_154, %lt3A_160 : i32
      %ne3A_162 = arith.xori %lt3A_159, %lt3A_161 : i1
      %and3A_163 = arith.andi %ne3A_162, %ne3A_157 : i1
      %add3A_164 = arith.addi %rem3A_155, %select_n3A_154 : i32
      %select_n3A_165 = arith.select %and3A_163, %add3A_164, %rem3A_155 : i32
      %lt3A_166 = arith.constant 199 : i32
      %lt3A_167 = arith.cmpi slt, %scan3A_137, %lt3A_166 : i32
      %convert_element_type3A = arith.extui %lt3A_167 : i1 to i32
      %cond3A = arith.constant 0 : i32
      %cond3A_168 = arith.cmpi ne, %convert_element_type3A, %cond3A : i32
      scf.if %cond3A_168 {
        %add3A_342 = arith.constant 1 : i32
        %add3A_343 = arith.addi %scan3A_137, %add3A_342 : i32
        %get3A_344 = arith.index_cast %add3A_343 : i32 to index
        %get3A_345 = arith.constant 0 : index
        %get3A_346 = tpu.vector_load %arg5[%get3A_344, %get3A_345] {strides = array<i32>} : memref<200x128xi32, #tpu.memory_space<vmem>>, vector<16xi32>,
        %shift_right_arithmetic3A_347 = arith.constant 1 : i32
        %shift_right_arithmetic3A_348 = vector.broadcast %shift_right_arithmetic3A_347 : i32 to vector<16xi32>
        %shift_right_arithmetic3A_349 = arith.shrsi %get3A_346, %shift_right_arithmetic3A_348 : vector<16xi32>
        %swap3A_350 = arith.index_cast %select_n3A_165 : i32 to index
        %swap3A_351 = arith.constant 0 : index
        %swap3A_352 = tpu.vector_load %arg6[%swap3A_350, %swap3A_351] {strides = array<i32>} : memref<2x128xi32, #tpu.memory_space<vmem>>, vector<16xi32>,
        tpu.vector_store %arg6[%swap3A_350, %swap3A_351], %shift_right_arithmetic3A_349 {strides = array<i32>} : memref<2x128xi32, #tpu.memory_space<vmem>>, vector<16xi32>,
        %get3A_353 = arith.index_cast %add3A_343 : i32 to index
        %get3A_354 = arith.constant 16 : index
        %get3A_355 = tpu.vector_load %arg5[%get3A_353, %get3A_354] {strides = array<i32>} : memref<200x128xi32, #tpu.memory_space<vmem>>, vector<16xi32>,
        %shift_right_arithmetic3A_356 = arith.constant 1 : i32
        %shift_right_arithmetic3A_357 = vector.broadcast %shift_right_arithmetic3A_356 : i32 to vector<16xi32>
        %shift_right_arithmetic3A_358 = arith.shrsi %get3A_355, %shift_right_arithmetic3A_357 : vector<16xi32>
        %swap3A_359 = arith.index_cast %select_n3A_165 : i32 to index
        %swap3A_360 = arith.constant 16 : index
        %swap3A_361 = tpu.vector_load %arg6[%swap3A_359, %swap3A_360] {strides = array<i32>} : memref<2x128xi32, #tpu.memory_space<vmem>>, vector<16xi32>,
        tpu.vector_store %arg6[%swap3A_359, %swap3A_360], %shift_right_arithmetic3A_358 {strides = array<i32>} : memref<2x128xi32, #tpu.memory_space<vmem>>, vector<16xi32>,
        %get3A_362 = arith.index_cast %add3A_343 : i32 to index
        %get3A_363 = arith.constant 32 : index
        %get3A_364 = tpu.vector_load %arg5[%get3A_362, %get3A_363] {strides = array<i32>} : memref<200x128xi32, #tpu.memory_space<vmem>>, vector<16xi32>,
        %shift_right_arithmetic3A_365 = arith.constant 1 : i32
        %shift_right_arithmetic3A_366 = vector.broadcast %shift_right_arithmetic3A_365 : i32 to vector<16xi32>
        %shift_right_arithmetic3A_367 = arith.shrsi %get3A_364, %shift_right_arithmetic3A_366 : vector<16xi32>
        %swap3A_368 = arith.index_cast %select_n3A_165 : i32 to index
        %swap3A_369 = arith.constant 32 : index
        %swap3A_370 = tpu.vector_load %arg6[%swap3A_368, %swap3A_369] {strides = array<i32>} : memref<2x128xi32, #tpu.memory_space<vmem>>, vector<16xi32>,
        tpu.vector_store %arg6[%swap3A_368, %swap3A_369], %shift_right_arithmetic3A_367 {strides = array<i32>} : memref<2x128xi32, #tpu.memory_space<vmem>>, vector<16xi32>,
        %get3A_371 = arith.index_cast %add3A_343 : i32 to index
        %get3A_372 = arith.constant 48 : index
        %get3A_373 = tpu.vector_load %arg5[%get3A_371, %get3A_372] {strides = array<i32>} : memref<200x128xi32, #tpu.memory_space<vmem>>, vector<16xi32>,
        %shift_right_arithmetic3A_374 = arith.constant 1 : i32
        %shift_right_arithmetic3A_375 = vector.broadcast %shift_right_arithmetic3A_374 : i32 to vector<16xi32>
        %shift_right_arithmetic3A_376 = arith.shrsi %get3A_373, %shift_right_arithmetic3A_375 : vector<16xi32>
        %swap3A_377 = arith.index_cast %select_n3A_165 : i32 to index
        %swap3A_378 = arith.constant 48 : index
        %swap3A_379 = tpu.vector_load %arg6[%swap3A_377, %swap3A_378] {strides = array<i32>} : memref<2x128xi32, #tpu.memory_space<vmem>>, vector<16xi32>,
        tpu.vector_store %arg6[%swap3A_377, %swap3A_378], %shift_right_arithmetic3A_376 {strides = array<i32>} : memref<2x128xi32, #tpu.memory_space<vmem>>, vector<16xi32>,
        %get3A_380 = arith.index_cast %add3A_343 : i32 to index
        %get3A_381 = arith.constant 64 : index
        %get3A_382 = tpu.vector_load %arg5[%get3A_380, %get3A_381] {strides = array<i32>} : memref<200x128xi32, #tpu.memory_space<vmem>>, vector<16xi32>,
        %shift_right_arithmetic3A_383 = arith.constant 1 : i32
        %shift_right_arithmetic3A_384 = vector.broadcast %shift_right_arithmetic3A_383 : i32 to vector<16xi32>
        %shift_right_arithmetic3A_385 = arith.shrsi %get3A_382, %shift_right_arithmetic3A_384 : vector<16xi32>
        %swap3A_386 = arith.index_cast %select_n3A_165 : i32 to index
        %swap3A_387 = arith.constant 64 : index
        %swap3A_388 = tpu.vector_load %arg6[%swap3A_386, %swap3A_387] {strides = array<i32>} : memref<2x128xi32, #tpu.memory_space<vmem>>, vector<16xi32>,
        tpu.vector_store %arg6[%swap3A_386, %swap3A_387], %shift_right_arithmetic3A_385 {strides = array<i32>} : memref<2x128xi32, #tpu.memory_space<vmem>>, vector<16xi32>,
        %get3A_389 = arith.index_cast %add3A_343 : i32 to index
        %get3A_390 = arith.constant 80 : index
        %get3A_391 = tpu.vector_load %arg5[%get3A_389, %get3A_390] {strides = array<i32>} : memref<200x128xi32, #tpu.memory_space<vmem>>, vector<16xi32>,
        %shift_right_arithmetic3A_392 = arith.constant 1 : i32
        %shift_right_arithmetic3A_393 = vector.broadcast %shift_right_arithmetic3A_392 : i32 to vector<16xi32>
        %shift_right_arithmetic3A_394 = arith.shrsi %get3A_391, %shift_right_arithmetic3A_393 : vector<16xi32>
        %swap3A_395 = arith.index_cast %select_n3A_165 : i32 to index
        %swap3A_396 = arith.constant 80 : index
        %swap3A_397 = tpu.vector_load %arg6[%swap3A_395, %swap3A_396] {strides = array<i32>} : memref<2x128xi32, #tpu.memory_space<vmem>>, vector<16xi32>,
        tpu.vector_store %arg6[%swap3A_395, %swap3A_396], %shift_right_arithmetic3A_394 {strides = array<i32>} : memref<2x128xi32, #tpu.memory_space<vmem>>, vector<16xi32>,
        %get3A_398 = arith.index_cast %add3A_343 : i32 to index
        %get3A_399 = arith.constant 96 : index
        %get3A_400 = tpu.vector_load %arg5[%get3A_398, %get3A_399] {strides = array<i32>} : memref<200x128xi32, #tpu.memory_space<vmem>>, vector<16xi32>,
        %shift_right_arithmetic3A_401 = arith.constant 1 : i32
        %shift_right_arithmetic3A_402 = vector.broadcast %shift_right_arithmetic3A_401 : i32 to vector<16xi32>
        %shift_right_arithmetic3A_403 = arith.shrsi %get3A_400, %shift_right_arithmetic3A_402 : vector<16xi32>
        %swap3A_404 = arith.index_cast %select_n3A_165 : i32 to index
        %swap3A_405 = arith.constant 96 : index
        %swap3A_406 = tpu.vector_load %arg6[%swap3A_404, %swap3A_405] {strides = array<i32>} : memref<2x128xi32, #tpu.memory_space<vmem>>, vector<16xi32>,
        tpu.vector_store %arg6[%swap3A_404, %swap3A_405], %shift_right_arithmetic3A_403 {strides = array<i32>} : memref<2x128xi32, #tpu.memory_space<vmem>>, vector<16xi32>,
        %get3A_407 = arith.index_cast %add3A_343 : i32 to index
        %get3A_408 = arith.constant 112 : index
        %get3A_409 = tpu.vector_load %arg5[%get3A_407, %get3A_408] {strides = array<i32>} : memref<200x128xi32, #tpu.memory_space<vmem>>, vector<16xi32>,
        %shift_right_arithmetic3A_410 = arith.constant 1 : i32
        %shift_right_arithmetic3A_411 = vector.broadcast %shift_right_arithmetic3A_410 : i32 to vector<16xi32>
        %shift_right_arithmetic3A_412 = arith.shrsi %get3A_409, %shift_right_arithmetic3A_411 : vector<16xi32>
        %swap3A_413 = arith.index_cast %select_n3A_165 : i32 to index
        %swap3A_414 = arith.constant 112 : index
        %swap3A_415 = tpu.vector_load %arg6[%swap3A_413, %swap3A_414] {strides = array<i32>} : memref<2x128xi32, #tpu.memory_space<vmem>>, vector<16xi32>,
        tpu.vector_store %arg6[%swap3A_413, %swap3A_414], %shift_right_arithmetic3A_412 {strides = array<i32>} : memref<2x128xi32, #tpu.memory_space<vmem>>, vector<16xi32>,
        %mul3A_416 = arith.constant 128 : i32
        %mul3A_417 = arith.muli %select_n3A_165, %mul3A_416 : i32
        %dma_start3A_418 = arith.constant 0 : i32
        %dma_start3A_419 = tpu.memref_slice %arg7[%mul3A_417, %dma_start3A_418] : memref<256x128xf32, #tpu.memory_space<vmem>> -> memref<128x128xf32, #tpu.memory_space<vmem>>
        %dma_start3A_420 = arith.constant 0 : i32
        %dma_start3A_421 = tpu.memref_slice %arg6[%select_n3A_165, %dma_start3A_420] : memref<2x128xi32, #tpu.memory_space<vmem>> -> memref<1x128xi32, #tpu.memory_space<vmem>>
        %dma_start3A_422 = tpu.memref_squeeze %dma_start3A_421 : memref<1x128xi32, #tpu.memory_space<vmem>> -> memref<128xi32, #tpu.memory_space<vmem>>
        %dma_start3A_423 = arith.constant 0 : i32
        %dma_start3A_424 = arith.constant 0 : i32
        %dma_start3A_425 = tpu.memref_slice %arg3[%dma_start3A_423, %dma_start3A_424] : memref<500000x128xf32, #tpu.memory_space<hbm>> -> memref<500000x128xf32, #tpu.memory_space<hbm>>
        %dma_start3A_426 = tpu.memref_slice %arg9[%select_n3A_165] : memref<2x!tpu.dma_semaphore, #tpu.memory_space<semaphore_mem>> -> memref<1x!tpu.dma_semaphore, #tpu.memory_space<semaphore_mem>>
        %dma_start3A_427 = tpu.memref_squeeze %dma_start3A_426 : memref<1x!tpu.dma_semaphore, #tpu.memory_space<semaphore_mem>> -> memref<!tpu.dma_semaphore, #tpu.memory_space<semaphore_mem>>
        tpu.enqueue_indirect_dma source(%dma_start3A_425 : memref<500000x128xf32, #tpu.memory_space<hbm>>) target(%dma_start3A_419 : memref<128x128xf32, #tpu.memory_space<vmem>>) offsets(%dma_start3A_422 : memref<128xi32, #tpu.memory_space<vmem>>) semaphore(%dma_start3A_427 : memref<!tpu.dma_semaphore, #tpu.memory_space<semaphore_mem>>)
      } else {
      }
      %mul3A_169 = arith.constant 128 : i32
      %mul3A_170 = arith.muli %select_n3A_147, %mul3A_169 : i32
      %dma_wait3A_171 = arith.constant 0 : i32
      %dma_wait3A_172 = tpu.memref_slice %arg7[%mul3A_170, %dma_wait3A_171] : memref<256x128xf32, #tpu.memory_space<vmem>> -> memref<128x128xf32, #tpu.memory_space<vmem>>
      %dma_wait3A_173 = arith.constant 0 : i32
      %dma_wait3A_174 = tpu.memref_slice %arg6[%select_n3A_147, %dma_wait3A_173] : memref<2x128xi32, #tpu.memory_space<vmem>> -> memref<1x128xi32, #tpu.memory_space<vmem>>
      %dma_wait3A_175 = tpu.memref_squeeze %dma_wait3A_174 : memref<1x128xi32, #tpu.memory_space<vmem>> -> memref<128xi32, #tpu.memory_space<vmem>>
      %dma_wait3A_176 = arith.constant 0 : i32
      %dma_wait3A_177 = arith.constant 0 : i32
      %dma_wait3A_178 = tpu.memref_slice %arg3[%dma_wait3A_176, %dma_wait3A_177] : memref<500000x128xf32, #tpu.memory_space<hbm>> -> memref<500000x128xf32, #tpu.memory_space<hbm>>
      %dma_wait3A_179 = tpu.memref_slice %arg9[%select_n3A_147] : memref<2x!tpu.dma_semaphore, #tpu.memory_space<semaphore_mem>> -> memref<1x!tpu.dma_semaphore, #tpu.memory_space<semaphore_mem>>
      %dma_wait3A_180 = tpu.memref_squeeze %dma_wait3A_179 : memref<1x!tpu.dma_semaphore, #tpu.memory_space<semaphore_mem>> -> memref<!tpu.dma_semaphore, #tpu.memory_space<semaphore_mem>>
      tpu.wait_indirect_dma semaphore(%dma_wait3A_180 : memref<!tpu.dma_semaphore, #tpu.memory_space<semaphore_mem>>) src(%dma_wait3A_178 : memref<500000x128xf32, #tpu.memory_space<hbm>>) dst(%dma_wait3A_172 : memref<128x128xf32, #tpu.memory_space<vmem>>)
      %ge3A = arith.constant 2 : i32
      %ge3A_181 = arith.cmpi sge, %scan3A_137, %ge3A : i32
      %convert_element_type3A_182 = arith.extui %ge3A_181 : i1 to i32
      %cond3A_183 = arith.constant 0 : i32
      %cond3A_184 = arith.cmpi ne, %convert_element_type3A_182, %cond3A_183 : i32
      scf.if %cond3A_184 {
        %sub3A = arith.constant 2 : i32
        %sub3A_342 = arith.subi %scan3A_137, %sub3A : i32
        %mul3A_343 = arith.constant 64 : i32
        %mul3A_344 = arith.muli %select_n3A_147, %mul3A_343 : i32
        %dma_wait3A_345 = arith.constant 0 : i32
        %dma_wait3A_346 = tpu.memref_slice %arg8[%mul3A_344, %dma_wait3A_345] : memref<128x128xf32, #tpu.memory_space<vmem>> -> memref<64x128xf32, #tpu.memory_space<vmem>>
        %dma_wait3A_347 = arith.constant 0 : i32
        %dma_wait3A_348 = tpu.memref_slice %arg4[%sub3A_342, %dma_wait3A_347, %mul3A_2] : memref<200x64x4096xf32, #tpu.memory_space<hbm>> -> memref<1x64x128xf32, #tpu.memory_space<hbm>>
        %dma_wait3A_349 = tpu.memref_squeeze %dma_wait3A_348 : memref<1x64x128xf32, #tpu.memory_space<hbm>> -> memref<64x128xf32, #tpu.memory_space<hbm>>
        %dma_wait3A_350 = tpu.memref_slice %arg10[%select_n3A_147] : memref<2x!tpu.dma_semaphore, #tpu.memory_space<semaphore_mem>> -> memref<1x!tpu.dma_semaphore, #tpu.memory_space<semaphore_mem>>
        %dma_wait3A_351 = tpu.memref_squeeze %dma_wait3A_350 : memref<1x!tpu.dma_semaphore, #tpu.memory_space<semaphore_mem>> -> memref<!tpu.dma_semaphore, #tpu.memory_space<semaphore_mem>>
        %dma_wait3A_352 = arith.constant 0 : i32
        %dma_wait3A_353 = tpu.memref_slice %arg4[%sub3A_342, %dma_wait3A_352, %mul3A_2] : memref<200x64x4096xf32, #tpu.memory_space<hbm>> -> memref<1x64x128xf32, #tpu.memory_space<hbm>>
        %dma_wait3A_354 = tpu.memref_squeeze %dma_wait3A_353 : memref<1x64x128xf32, #tpu.memory_space<hbm>> -> memref<64x128xf32, #tpu.memory_space<hbm>>
        %dma_wait3A_355 = arith.constant 0 : i32
        %dma_wait3A_356 = tpu.memref_slice %arg8[%mul3A_344, %dma_wait3A_355] : memref<128x128xf32, #tpu.memory_space<vmem>> -> memref<64x128xf32, #tpu.memory_space<vmem>>
        tpu.wait_dma2 semaphore(%dma_wait3A_351 : memref<!tpu.dma_semaphore, #tpu.memory_space<semaphore_mem>>) src(%dma_wait3A_356 : memref<64x128xf32, #tpu.memory_space<vmem>>) dst(%dma_wait3A_354 : memref<64x128xf32, #tpu.memory_space<hbm>>)
      } else {
      }
      %get3A_185 = arith.index_cast %scan3A_137 : i32 to index
      %get3A_186 = arith.constant 0 : index
      %get3A_187 = tpu.vector_load %arg5[%get3A_185, %get3A_186] {strides = array<i32>} : memref<200x128xi32, #tpu.memory_space<vmem>>, vector<16xi32>,
      %and3A_188 = arith.constant 1 : i32
      %and3A_189 = vector.broadcast %and3A_188 : i32 to vector<16xi32>
      %and3A_190 = arith.andi %get3A_187, %and3A_189 : vector<16xi32>
      %shift_left3A = arith.constant 6 : i32
      %shift_left3A_191 = vector.broadcast %shift_left3A : i32 to vector<16xi32>
      %shift_left3A_192 = arith.shli %and3A_190, %shift_left3A_191 : vector<16xi32>
      %mul3A_193 = arith.constant 128 : i32
      %mul3A_194 = arith.muli %select_n3A_147, %mul3A_193 : i32
      %add3A_195 = arith.constant 0 : i32
      %add3A_196 = arith.addi %mul3A_194, %add3A_195 : i32
      %add3A_197 = vector.broadcast %add3A_196 : i32 to vector<16xi32>
      %add3A_198 = arith.addi %add3A_197, %iota3A : vector<16xi32>
      %parallel_loop3A = arith.constant 0 : i32
      %parallel_loop3A_199 = arith.constant 64 : i32
      %parallel_loop3A_200 = arith.constant 1 : i32
      scf.for %parallel_loop3A_342 = %parallel_loop3A to %parallel_loop3A_199 step %parallel_loop3A_200  : i32 {
        %parallel_loop3A_343 = vector.broadcast %parallel_loop3A_342 : i32 to vector<16xi32>
        %parallel_loop3A_344 = arith.addi %shift_left3A_192, %parallel_loop3A_343 : vector<16xi32>
        %parallel_loop3A_345 = tpu.vector_load_idx %arg7[%add3A_198, %parallel_loop3A_344] : memref<256x128xf32, #tpu.memory_space<vmem>>[vector<16xi32>, vector<16xi32>], vector<16xf32>,
        %parallel_loop3A_346 = arith.constant 8.000000e+00 : f32
        %parallel_loop3A_347 = vector.broadcast %parallel_loop3A_346 : f32 to vector<16xf32>
        %parallel_loop3A_348 = arith.mulf %parallel_loop3A_345, %parallel_loop3A_347 : vector<16xf32>
        %parallel_loop3A_349 = arith.constant 64 : i32
        %parallel_loop3A_350 = arith.muli %select_n3A_147, %parallel_loop3A_349 : i32
        %parallel_loop3A_351 = arith.addi %parallel_loop3A_350, %parallel_loop3A_342 : i32
        %parallel_loop3A_352 = arith.index_cast %parallel_loop3A_351 : i32 to index
        %parallel_loop3A_353 = arith.constant 0 : index
        %parallel_loop3A_354 = tpu.vector_load %arg8[%parallel_loop3A_352, %parallel_loop3A_353] {strides = array<i32>} : memref<128x128xf32, #tpu.memory_space<vmem>>, vector<16xf32>,
        tpu.vector_store %arg8[%parallel_loop3A_352, %parallel_loop3A_353], %parallel_loop3A_348 {strides = array<i32>} : memref<128x128xf32, #tpu.memory_space<vmem>>, vector<16xf32>,
      } {sc.loop_unroll_factor = 8 : i64, sc.parallel_access}
      %get3A_201 = arith.index_cast %scan3A_137 : i32 to index
      %get3A_202 = arith.constant 16 : index
      %get3A_203 = tpu.vector_load %arg5[%get3A_201, %get3A_202] {strides = array<i32>} : memref<200x128xi32, #tpu.memory_space<vmem>>, vector<16xi32>,
      %and3A_204 = arith.constant 1 : i32
      %and3A_205 = vector.broadcast %and3A_204 : i32 to vector<16xi32>
      %and3A_206 = arith.andi %get3A_203, %and3A_205 : vector<16xi32>
      %shift_left3A_207 = arith.constant 6 : i32
      %shift_left3A_208 = vector.broadcast %shift_left3A_207 : i32 to vector<16xi32>
      %shift_left3A_209 = arith.shli %and3A_206, %shift_left3A_208 : vector<16xi32>
      %mul3A_210 = arith.constant 128 : i32
      %mul3A_211 = arith.muli %select_n3A_147, %mul3A_210 : i32
      %add3A_212 = arith.constant 16 : i32
      %add3A_213 = arith.addi %mul3A_211, %add3A_212 : i32
      %add3A_214 = vector.broadcast %add3A_213 : i32 to vector<16xi32>
      %add3A_215 = arith.addi %add3A_214, %iota3A : vector<16xi32>
      %parallel_loop3A_216 = arith.constant 0 : i32
      %parallel_loop3A_217 = arith.constant 64 : i32
      %parallel_loop3A_218 = arith.constant 1 : i32
      scf.for %parallel_loop3A_342 = %parallel_loop3A_216 to %parallel_loop3A_217 step %parallel_loop3A_218  : i32 {
        %parallel_loop3A_343 = vector.broadcast %parallel_loop3A_342 : i32 to vector<16xi32>
        %parallel_loop3A_344 = arith.addi %shift_left3A_209, %parallel_loop3A_343 : vector<16xi32>
        %parallel_loop3A_345 = tpu.vector_load_idx %arg7[%add3A_215, %parallel_loop3A_344] : memref<256x128xf32, #tpu.memory_space<vmem>>[vector<16xi32>, vector<16xi32>], vector<16xf32>,
        %parallel_loop3A_346 = arith.constant 8.000000e+00 : f32
        %parallel_loop3A_347 = vector.broadcast %parallel_loop3A_346 : f32 to vector<16xf32>
        %parallel_loop3A_348 = arith.mulf %parallel_loop3A_345, %parallel_loop3A_347 : vector<16xf32>
        %parallel_loop3A_349 = arith.constant 64 : i32
        %parallel_loop3A_350 = arith.muli %select_n3A_147, %parallel_loop3A_349 : i32
        %parallel_loop3A_351 = arith.addi %parallel_loop3A_350, %parallel_loop3A_342 : i32
        %parallel_loop3A_352 = arith.index_cast %parallel_loop3A_351 : i32 to index
        %parallel_loop3A_353 = arith.constant 16 : index
        %parallel_loop3A_354 = tpu.vector_load %arg8[%parallel_loop3A_352, %parallel_loop3A_353] {strides = array<i32>} : memref<128x128xf32, #tpu.memory_space<vmem>>, vector<16xf32>,
        tpu.vector_store %arg8[%parallel_loop3A_352, %parallel_loop3A_353], %parallel_loop3A_348 {strides = array<i32>} : memref<128x128xf32, #tpu.memory_space<vmem>>, vector<16xf32>,
      } {sc.loop_unroll_factor = 8 : i64, sc.parallel_access}
      %get3A_219 = arith.index_cast %scan3A_137 : i32 to index
      %get3A_220 = arith.constant 32 : index
      %get3A_221 = tpu.vector_load %arg5[%get3A_219, %get3A_220] {strides = array<i32>} : memref<200x128xi32, #tpu.memory_space<vmem>>, vector<16xi32>,
      %and3A_222 = arith.constant 1 : i32
      %and3A_223 = vector.broadcast %and3A_222 : i32 to vector<16xi32>
      %and3A_224 = arith.andi %get3A_221, %and3A_223 : vector<16xi32>
      %shift_left3A_225 = arith.constant 6 : i32
      %shift_left3A_226 = vector.broadcast %shift_left3A_225 : i32 to vector<16xi32>
      %shift_left3A_227 = arith.shli %and3A_224, %shift_left3A_226 : vector<16xi32>
      %mul3A_228 = arith.constant 128 : i32
      %mul3A_229 = arith.muli %select_n3A_147, %mul3A_228 : i32
      %add3A_230 = arith.constant 32 : i32
      %add3A_231 = arith.addi %mul3A_229, %add3A_230 : i32
      %add3A_232 = vector.broadcast %add3A_231 : i32 to vector<16xi32>
      %add3A_233 = arith.addi %add3A_232, %iota3A : vector<16xi32>
      %parallel_loop3A_234 = arith.constant 0 : i32
      %parallel_loop3A_235 = arith.constant 64 : i32
      %parallel_loop3A_236 = arith.constant 1 : i32
      scf.for %parallel_loop3A_342 = %parallel_loop3A_234 to %parallel_loop3A_235 step %parallel_loop3A_236  : i32 {
        %parallel_loop3A_343 = vector.broadcast %parallel_loop3A_342 : i32 to vector<16xi32>
        %parallel_loop3A_344 = arith.addi %shift_left3A_227, %parallel_loop3A_343 : vector<16xi32>
        %parallel_loop3A_345 = tpu.vector_load_idx %arg7[%add3A_233, %parallel_loop3A_344] : memref<256x128xf32, #tpu.memory_space<vmem>>[vector<16xi32>, vector<16xi32>], vector<16xf32>,
        %parallel_loop3A_346 = arith.constant 8.000000e+00 : f32
        %parallel_loop3A_347 = vector.broadcast %parallel_loop3A_346 : f32 to vector<16xf32>
        %parallel_loop3A_348 = arith.mulf %parallel_loop3A_345, %parallel_loop3A_347 : vector<16xf32>
        %parallel_loop3A_349 = arith.constant 64 : i32
        %parallel_loop3A_350 = arith.muli %select_n3A_147, %parallel_loop3A_349 : i32
        %parallel_loop3A_351 = arith.addi %parallel_loop3A_350, %parallel_loop3A_342 : i32
        %parallel_loop3A_352 = arith.index_cast %parallel_loop3A_351 : i32 to index
        %parallel_loop3A_353 = arith.constant 32 : index
        %parallel_loop3A_354 = tpu.vector_load %arg8[%parallel_loop3A_352, %parallel_loop3A_353] {strides = array<i32>} : memref<128x128xf32, #tpu.memory_space<vmem>>, vector<16xf32>,
        tpu.vector_store %arg8[%parallel_loop3A_352, %parallel_loop3A_353], %parallel_loop3A_348 {strides = array<i32>} : memref<128x128xf32, #tpu.memory_space<vmem>>, vector<16xf32>,
      } {sc.loop_unroll_factor = 8 : i64, sc.parallel_access}
      %get3A_237 = arith.index_cast %scan3A_137 : i32 to index
      %get3A_238 = arith.constant 48 : index
      %get3A_239 = tpu.vector_load %arg5[%get3A_237, %get3A_238] {strides = array<i32>} : memref<200x128xi32, #tpu.memory_space<vmem>>, vector<16xi32>,
      %and3A_240 = arith.constant 1 : i32
      %and3A_241 = vector.broadcast %and3A_240 : i32 to vector<16xi32>
      %and3A_242 = arith.andi %get3A_239, %and3A_241 : vector<16xi32>
      %shift_left3A_243 = arith.constant 6 : i32
      %shift_left3A_244 = vector.broadcast %shift_left3A_243 : i32 to vector<16xi32>
      %shift_left3A_245 = arith.shli %and3A_242, %shift_left3A_244 : vector<16xi32>
      %mul3A_246 = arith.constant 128 : i32
      %mul3A_247 = arith.muli %select_n3A_147, %mul3A_246 : i32
      %add3A_248 = arith.constant 48 : i32
      %add3A_249 = arith.addi %mul3A_247, %add3A_248 : i32
      %add3A_250 = vector.broadcast %add3A_249 : i32 to vector<16xi32>
      %add3A_251 = arith.addi %add3A_250, %iota3A : vector<16xi32>
      %parallel_loop3A_252 = arith.constant 0 : i32
      %parallel_loop3A_253 = arith.constant 64 : i32
      %parallel_loop3A_254 = arith.constant 1 : i32
      scf.for %parallel_loop3A_342 = %parallel_loop3A_252 to %parallel_loop3A_253 step %parallel_loop3A_254  : i32 {
        %parallel_loop3A_343 = vector.broadcast %parallel_loop3A_342 : i32 to vector<16xi32>
        %parallel_loop3A_344 = arith.addi %shift_left3A_245, %parallel_loop3A_343 : vector<16xi32>
        %parallel_loop3A_345 = tpu.vector_load_idx %arg7[%add3A_251, %parallel_loop3A_344] : memref<256x128xf32, #tpu.memory_space<vmem>>[vector<16xi32>, vector<16xi32>], vector<16xf32>,
        %parallel_loop3A_346 = arith.constant 8.000000e+00 : f32
        %parallel_loop3A_347 = vector.broadcast %parallel_loop3A_346 : f32 to vector<16xf32>
        %parallel_loop3A_348 = arith.mulf %parallel_loop3A_345, %parallel_loop3A_347 : vector<16xf32>
        %parallel_loop3A_349 = arith.constant 64 : i32
        %parallel_loop3A_350 = arith.muli %select_n3A_147, %parallel_loop3A_349 : i32
        %parallel_loop3A_351 = arith.addi %parallel_loop3A_350, %parallel_loop3A_342 : i32
        %parallel_loop3A_352 = arith.index_cast %parallel_loop3A_351 : i32 to index
        %parallel_loop3A_353 = arith.constant 48 : index
        %parallel_loop3A_354 = tpu.vector_load %arg8[%parallel_loop3A_352, %parallel_loop3A_353] {strides = array<i32>} : memref<128x128xf32, #tpu.memory_space<vmem>>, vector<16xf32>,
        tpu.vector_store %arg8[%parallel_loop3A_352, %parallel_loop3A_353], %parallel_loop3A_348 {strides = array<i32>} : memref<128x128xf32, #tpu.memory_space<vmem>>, vector<16xf32>,
      } {sc.loop_unroll_factor = 8 : i64, sc.parallel_access}
      %get3A_255 = arith.index_cast %scan3A_137 : i32 to index
      %get3A_256 = arith.constant 64 : index
      %get3A_257 = tpu.vector_load %arg5[%get3A_255, %get3A_256] {strides = array<i32>} : memref<200x128xi32, #tpu.memory_space<vmem>>, vector<16xi32>,
      %and3A_258 = arith.constant 1 : i32
      %and3A_259 = vector.broadcast %and3A_258 : i32 to vector<16xi32>
      %and3A_260 = arith.andi %get3A_257, %and3A_259 : vector<16xi32>
      %shift_left3A_261 = arith.constant 6 : i32
      %shift_left3A_262 = vector.broadcast %shift_left3A_261 : i32 to vector<16xi32>
      %shift_left3A_263 = arith.shli %and3A_260, %shift_left3A_262 : vector<16xi32>
      %mul3A_264 = arith.constant 128 : i32
      %mul3A_265 = arith.muli %select_n3A_147, %mul3A_264 : i32
      %add3A_266 = arith.constant 64 : i32
      %add3A_267 = arith.addi %mul3A_265, %add3A_266 : i32
      %add3A_268 = vector.broadcast %add3A_267 : i32 to vector<16xi32>
      %add3A_269 = arith.addi %add3A_268, %iota3A : vector<16xi32>
      %parallel_loop3A_270 = arith.constant 0 : i32
      %parallel_loop3A_271 = arith.constant 64 : i32
      %parallel_loop3A_272 = arith.constant 1 : i32
      scf.for %parallel_loop3A_342 = %parallel_loop3A_270 to %parallel_loop3A_271 step %parallel_loop3A_272  : i32 {
        %parallel_loop3A_343 = vector.broadcast %parallel_loop3A_342 : i32 to vector<16xi32>
        %parallel_loop3A_344 = arith.addi %shift_left3A_263, %parallel_loop3A_343 : vector<16xi32>
        %parallel_loop3A_345 = tpu.vector_load_idx %arg7[%add3A_269, %parallel_loop3A_344] : memref<256x128xf32, #tpu.memory_space<vmem>>[vector<16xi32>, vector<16xi32>], vector<16xf32>,
        %parallel_loop3A_346 = arith.constant 8.000000e+00 : f32
        %parallel_loop3A_347 = vector.broadcast %parallel_loop3A_346 : f32 to vector<16xf32>
        %parallel_loop3A_348 = arith.mulf %parallel_loop3A_345, %parallel_loop3A_347 : vector<16xf32>
        %parallel_loop3A_349 = arith.constant 64 : i32
        %parallel_loop3A_350 = arith.muli %select_n3A_147, %parallel_loop3A_349 : i32
        %parallel_loop3A_351 = arith.addi %parallel_loop3A_350, %parallel_loop3A_342 : i32
        %parallel_loop3A_352 = arith.index_cast %parallel_loop3A_351 : i32 to index
        %parallel_loop3A_353 = arith.constant 64 : index
        %parallel_loop3A_354 = tpu.vector_load %arg8[%parallel_loop3A_352, %parallel_loop3A_353] {strides = array<i32>} : memref<128x128xf32, #tpu.memory_space<vmem>>, vector<16xf32>,
        tpu.vector_store %arg8[%parallel_loop3A_352, %parallel_loop3A_353], %parallel_loop3A_348 {strides = array<i32>} : memref<128x128xf32, #tpu.memory_space<vmem>>, vector<16xf32>,
      } {sc.loop_unroll_factor = 8 : i64, sc.parallel_access}
      %get3A_273 = arith.index_cast %scan3A_137 : i32 to index
      %get3A_274 = arith.constant 80 : index
      %get3A_275 = tpu.vector_load %arg5[%get3A_273, %get3A_274] {strides = array<i32>} : memref<200x128xi32, #tpu.memory_space<vmem>>, vector<16xi32>,
      %and3A_276 = arith.constant 1 : i32
      %and3A_277 = vector.broadcast %and3A_276 : i32 to vector<16xi32>
      %and3A_278 = arith.andi %get3A_275, %and3A_277 : vector<16xi32>
      %shift_left3A_279 = arith.constant 6 : i32
      %shift_left3A_280 = vector.broadcast %shift_left3A_279 : i32 to vector<16xi32>
      %shift_left3A_281 = arith.shli %and3A_278, %shift_left3A_280 : vector<16xi32>
      %mul3A_282 = arith.constant 128 : i32
      %mul3A_283 = arith.muli %select_n3A_147, %mul3A_282 : i32
      %add3A_284 = arith.constant 80 : i32
      %add3A_285 = arith.addi %mul3A_283, %add3A_284 : i32
      %add3A_286 = vector.broadcast %add3A_285 : i32 to vector<16xi32>
      %add3A_287 = arith.addi %add3A_286, %iota3A : vector<16xi32>
      %parallel_loop3A_288 = arith.constant 0 : i32
      %parallel_loop3A_289 = arith.constant 64 : i32
      %parallel_loop3A_290 = arith.constant 1 : i32
      scf.for %parallel_loop3A_342 = %parallel_loop3A_288 to %parallel_loop3A_289 step %parallel_loop3A_290  : i32 {
        %parallel_loop3A_343 = vector.broadcast %parallel_loop3A_342 : i32 to vector<16xi32>
        %parallel_loop3A_344 = arith.addi %shift_left3A_281, %parallel_loop3A_343 : vector<16xi32>
        %parallel_loop3A_345 = tpu.vector_load_idx %arg7[%add3A_287, %parallel_loop3A_344] : memref<256x128xf32, #tpu.memory_space<vmem>>[vector<16xi32>, vector<16xi32>], vector<16xf32>,
        %parallel_loop3A_346 = arith.constant 8.000000e+00 : f32
        %parallel_loop3A_347 = vector.broadcast %parallel_loop3A_346 : f32 to vector<16xf32>
        %parallel_loop3A_348 = arith.mulf %parallel_loop3A_345, %parallel_loop3A_347 : vector<16xf32>
        %parallel_loop3A_349 = arith.constant 64 : i32
        %parallel_loop3A_350 = arith.muli %select_n3A_147, %parallel_loop3A_349 : i32
        %parallel_loop3A_351 = arith.addi %parallel_loop3A_350, %parallel_loop3A_342 : i32
        %parallel_loop3A_352 = arith.index_cast %parallel_loop3A_351 : i32 to index
        %parallel_loop3A_353 = arith.constant 80 : index
        %parallel_loop3A_354 = tpu.vector_load %arg8[%parallel_loop3A_352, %parallel_loop3A_353] {strides = array<i32>} : memref<128x128xf32, #tpu.memory_space<vmem>>, vector<16xf32>,
        tpu.vector_store %arg8[%parallel_loop3A_352, %parallel_loop3A_353], %parallel_loop3A_348 {strides = array<i32>} : memref<128x128xf32, #tpu.memory_space<vmem>>, vector<16xf32>,
      } {sc.loop_unroll_factor = 8 : i64, sc.parallel_access}
      %get3A_291 = arith.index_cast %scan3A_137 : i32 to index
      %get3A_292 = arith.constant 96 : index
      %get3A_293 = tpu.vector_load %arg5[%get3A_291, %get3A_292] {strides = array<i32>} : memref<200x128xi32, #tpu.memory_space<vmem>>, vector<16xi32>,
      %and3A_294 = arith.constant 1 : i32
      %and3A_295 = vector.broadcast %and3A_294 : i32 to vector<16xi32>
      %and3A_296 = arith.andi %get3A_293, %and3A_295 : vector<16xi32>
      %shift_left3A_297 = arith.constant 6 : i32
      %shift_left3A_298 = vector.broadcast %shift_left3A_297 : i32 to vector<16xi32>
      %shift_left3A_299 = arith.shli %and3A_296, %shift_left3A_298 : vector<16xi32>
      %mul3A_300 = arith.constant 128 : i32
      %mul3A_301 = arith.muli %select_n3A_147, %mul3A_300 : i32
      %add3A_302 = arith.constant 96 : i32
      %add3A_303 = arith.addi %mul3A_301, %add3A_302 : i32
      %add3A_304 = vector.broadcast %add3A_303 : i32 to vector<16xi32>
      %add3A_305 = arith.addi %add3A_304, %iota3A : vector<16xi32>
      %parallel_loop3A_306 = arith.constant 0 : i32
      %parallel_loop3A_307 = arith.constant 64 : i32
      %parallel_loop3A_308 = arith.constant 1 : i32
      scf.for %parallel_loop3A_342 = %parallel_loop3A_306 to %parallel_loop3A_307 step %parallel_loop3A_308  : i32 {
        %parallel_loop3A_343 = vector.broadcast %parallel_loop3A_342 : i32 to vector<16xi32>
        %parallel_loop3A_344 = arith.addi %shift_left3A_299, %parallel_loop3A_343 : vector<16xi32>
        %parallel_loop3A_345 = tpu.vector_load_idx %arg7[%add3A_305, %parallel_loop3A_344] : memref<256x128xf32, #tpu.memory_space<vmem>>[vector<16xi32>, vector<16xi32>], vector<16xf32>,
        %parallel_loop3A_346 = arith.constant 8.000000e+00 : f32
        %parallel_loop3A_347 = vector.broadcast %parallel_loop3A_346 : f32 to vector<16xf32>
        %parallel_loop3A_348 = arith.mulf %parallel_loop3A_345, %parallel_loop3A_347 : vector<16xf32>
        %parallel_loop3A_349 = arith.constant 64 : i32
        %parallel_loop3A_350 = arith.muli %select_n3A_147, %parallel_loop3A_349 : i32
        %parallel_loop3A_351 = arith.addi %parallel_loop3A_350, %parallel_loop3A_342 : i32
        %parallel_loop3A_352 = arith.index_cast %parallel_loop3A_351 : i32 to index
        %parallel_loop3A_353 = arith.constant 96 : index
        %parallel_loop3A_354 = tpu.vector_load %arg8[%parallel_loop3A_352, %parallel_loop3A_353] {strides = array<i32>} : memref<128x128xf32, #tpu.memory_space<vmem>>, vector<16xf32>,
        tpu.vector_store %arg8[%parallel_loop3A_352, %parallel_loop3A_353], %parallel_loop3A_348 {strides = array<i32>} : memref<128x128xf32, #tpu.memory_space<vmem>>, vector<16xf32>,
      } {sc.loop_unroll_factor = 8 : i64, sc.parallel_access}
      %get3A_309 = arith.index_cast %scan3A_137 : i32 to index
      %get3A_310 = arith.constant 112 : index
      %get3A_311 = tpu.vector_load %arg5[%get3A_309, %get3A_310] {strides = array<i32>} : memref<200x128xi32, #tpu.memory_space<vmem>>, vector<16xi32>,
      %and3A_312 = arith.constant 1 : i32
      %and3A_313 = vector.broadcast %and3A_312 : i32 to vector<16xi32>
      %and3A_314 = arith.andi %get3A_311, %and3A_313 : vector<16xi32>
      %shift_left3A_315 = arith.constant 6 : i32
      %shift_left3A_316 = vector.broadcast %shift_left3A_315 : i32 to vector<16xi32>
      %shift_left3A_317 = arith.shli %and3A_314, %shift_left3A_316 : vector<16xi32>
      %mul3A_318 = arith.constant 128 : i32
      %mul3A_319 = arith.muli %select_n3A_147, %mul3A_318 : i32
      %add3A_320 = arith.constant 112 : i32
      %add3A_321 = arith.addi %mul3A_319, %add3A_320 : i32
      %add3A_322 = vector.broadcast %add3A_321 : i32 to vector<16xi32>
      %add3A_323 = arith.addi %add3A_322, %iota3A : vector<16xi32>
      %parallel_loop3A_324 = arith.constant 0 : i32
      %parallel_loop3A_325 = arith.constant 64 : i32
      %parallel_loop3A_326 = arith.constant 1 : i32
      scf.for %parallel_loop3A_342 = %parallel_loop3A_324 to %parallel_loop3A_325 step %parallel_loop3A_326  : i32 {
        %parallel_loop3A_343 = vector.broadcast %parallel_loop3A_342 : i32 to vector<16xi32>
        %parallel_loop3A_344 = arith.addi %shift_left3A_317, %parallel_loop3A_343 : vector<16xi32>
        %parallel_loop3A_345 = tpu.vector_load_idx %arg7[%add3A_323, %parallel_loop3A_344] : memref<256x128xf32, #tpu.memory_space<vmem>>[vector<16xi32>, vector<16xi32>], vector<16xf32>,
        %parallel_loop3A_346 = arith.constant 8.000000e+00 : f32
        %parallel_loop3A_347 = vector.broadcast %parallel_loop3A_346 : f32 to vector<16xf32>
        %parallel_loop3A_348 = arith.mulf %parallel_loop3A_345, %parallel_loop3A_347 : vector<16xf32>
        %parallel_loop3A_349 = arith.constant 64 : i32
        %parallel_loop3A_350 = arith.muli %select_n3A_147, %parallel_loop3A_349 : i32
        %parallel_loop3A_351 = arith.addi %parallel_loop3A_350, %parallel_loop3A_342 : i32
        %parallel_loop3A_352 = arith.index_cast %parallel_loop3A_351 : i32 to index
        %parallel_loop3A_353 = arith.constant 112 : index
        %parallel_loop3A_354 = tpu.vector_load %arg8[%parallel_loop3A_352, %parallel_loop3A_353] {strides = array<i32>} : memref<128x128xf32, #tpu.memory_space<vmem>>, vector<16xf32>,
        tpu.vector_store %arg8[%parallel_loop3A_352, %parallel_loop3A_353], %parallel_loop3A_348 {strides = array<i32>} : memref<128x128xf32, #tpu.memory_space<vmem>>, vector<16xf32>,
      } {sc.loop_unroll_factor = 8 : i64, sc.parallel_access}
      %mul3A_327 = arith.constant 64 : i32
      %mul3A_328 = arith.muli %select_n3A_147, %mul3A_327 : i32
      %dma_start3A_329 = arith.constant 0 : i32
      %dma_start3A_330 = tpu.memref_slice %arg8[%mul3A_328, %dma_start3A_329] : memref<128x128xf32, #tpu.memory_space<vmem>> -> memref<64x128xf32, #tpu.memory_space<vmem>>
      %dma_start3A_331 = arith.constant 0 : i32
      %dma_start3A_332 = tpu.memref_slice %arg4[%scan3A_137, %dma_start3A_331, %mul3A_2] : memref<200x64x4096xf32, #tpu.memory_space<hbm>> -> memref<1x64x128xf32, #tpu.memory_space<hbm>>
      %dma_start3A_333 = tpu.memref_squeeze %dma_start3A_332 : memref<1x64x128xf32, #tpu.memory_space<hbm>> -> memref<64x128xf32, #tpu.memory_space<hbm>>
      %dma_start3A_334 = tpu.memref_slice %arg10[%select_n3A_147] : memref<2x!tpu.dma_semaphore, #tpu.memory_space<semaphore_mem>> -> memref<1x!tpu.dma_semaphore, #tpu.memory_space<semaphore_mem>>
      %dma_start3A_335 = tpu.memref_squeeze %dma_start3A_334 : memref<1x!tpu.dma_semaphore, #tpu.memory_space<semaphore_mem>> -> memref<!tpu.dma_semaphore, #tpu.memory_space<semaphore_mem>>
      %dma_start3A_336 = arith.constant 0 : i32
      %dma_start3A_337 = tpu.memref_slice %arg4[%scan3A_137, %dma_start3A_336, %mul3A_2] : memref<200x64x4096xf32, #tpu.memory_space<hbm>> -> memref<1x64x128xf32, #tpu.memory_space<hbm>>
      %dma_start3A_338 = tpu.memref_squeeze %dma_start3A_337 : memref<1x64x128xf32, #tpu.memory_space<hbm>> -> memref<64x128xf32, #tpu.memory_space<hbm>>
      %dma_start3A_339 = arith.constant 0 : i32
      %dma_start3A_340 = tpu.memref_slice %arg8[%mul3A_328, %dma_start3A_339] : memref<128x128xf32, #tpu.memory_space<vmem>> -> memref<64x128xf32, #tpu.memory_space<vmem>>
      tpu.enqueue_dma source(%dma_start3A_340 : memref<64x128xf32, #tpu.memory_space<vmem>>) target(%dma_start3A_338 : memref<64x128xf32, #tpu.memory_space<hbm>>) target_semaphore(%dma_start3A_335 : memref<!tpu.dma_semaphore, #tpu.memory_space<semaphore_mem>>)
      %scan3A_341 = arith.constant 0 : i32
      scf.yield %scan3A_341 : i32
    }
    %scan3A_105 = arith.constant 200 : i32
    %dma_wait3A = arith.constant 198 : i32
    %dma_wait3A_106 = arith.constant 0 : i32
    %dma_wait3A_107 = arith.constant 0 : i32
    %dma_wait3A_108 = arith.constant 0 : i32
    %dma_wait3A_109 = tpu.memref_slice %arg8[%dma_wait3A_107, %dma_wait3A_108] : memref<128x128xf32, #tpu.memory_space<vmem>> -> memref<64x128xf32, #tpu.memory_space<vmem>>
    %dma_wait3A_110 = arith.constant 0 : i32
    %dma_wait3A_111 = tpu.memref_slice %arg4[%dma_wait3A, %dma_wait3A_110, %mul3A_2] : memref<200x64x4096xf32, #tpu.memory_space<hbm>> -> memref<1x64x128xf32, #tpu.memory_space<hbm>>
    %dma_wait3A_112 = tpu.memref_squeeze %dma_wait3A_111 : memref<1x64x128xf32, #tpu.memory_space<hbm>> -> memref<64x128xf32, #tpu.memory_space<hbm>>
    %dma_wait3A_113 = tpu.memref_slice %arg10[%dma_wait3A_106] : memref<2x!tpu.dma_semaphore, #tpu.memory_space<semaphore_mem>> -> memref<1x!tpu.dma_semaphore, #tpu.memory_space<semaphore_mem>>
    %dma_wait3A_114 = tpu.memref_squeeze %dma_wait3A_113 : memref<1x!tpu.dma_semaphore, #tpu.memory_space<semaphore_mem>> -> memref<!tpu.dma_semaphore, #tpu.memory_space<semaphore_mem>>
    %dma_wait3A_115 = arith.constant 0 : i32
    %dma_wait3A_116 = tpu.memref_slice %arg4[%dma_wait3A, %dma_wait3A_115, %mul3A_2] : memref<200x64x4096xf32, #tpu.memory_space<hbm>> -> memref<1x64x128xf32, #tpu.memory_space<hbm>>
    %dma_wait3A_117 = tpu.memref_squeeze %dma_wait3A_116 : memref<1x64x128xf32, #tpu.memory_space<hbm>> -> memref<64x128xf32, #tpu.memory_space<hbm>>
    %dma_wait3A_118 = arith.constant 0 : i32
    %dma_wait3A_119 = arith.constant 0 : i32
    %dma_wait3A_120 = tpu.memref_slice %arg8[%dma_wait3A_118, %dma_wait3A_119] : memref<128x128xf32, #tpu.memory_space<vmem>> -> memref<64x128xf32, #tpu.memory_space<vmem>>
    tpu.wait_dma2 semaphore(%dma_wait3A_114 : memref<!tpu.dma_semaphore, #tpu.memory_space<semaphore_mem>>) src(%dma_wait3A_120 : memref<64x128xf32, #tpu.memory_space<vmem>>) dst(%dma_wait3A_117 : memref<64x128xf32, #tpu.memory_space<hbm>>)
    %dma_wait3A_121 = arith.constant 199 : i32
    %dma_wait3A_122 = arith.constant 1 : i32
    %dma_wait3A_123 = arith.constant 64 : i32
    %dma_wait3A_124 = arith.constant 0 : i32
    %dma_wait3A_125 = tpu.memref_slice %arg8[%dma_wait3A_123, %dma_wait3A_124] : memref<128x128xf32, #tpu.memory_space<vmem>> -> memref<64x128xf32, #tpu.memory_space<vmem>>
    %dma_wait3A_126 = arith.constant 0 : i32
    %dma_wait3A_127 = tpu.memref_slice %arg4[%dma_wait3A_121, %dma_wait3A_126, %mul3A_2] : memref<200x64x4096xf32, #tpu.memory_space<hbm>> -> memref<1x64x128xf32, #tpu.memory_space<hbm>>
    %dma_wait3A_128 = tpu.memref_squeeze %dma_wait3A_127 : memref<1x64x128xf32, #tpu.memory_space<hbm>> -> memref<64x128xf32, #tpu.memory_space<hbm>>
    %dma_wait3A_129 = tpu.memref_slice %arg10[%dma_wait3A_122] : memref<2x!tpu.dma_semaphore, #tpu.memory_space<semaphore_mem>> -> memref<1x!tpu.dma_semaphore, #tpu.memory_space<semaphore_mem>>
    %dma_wait3A_130 = tpu.memref_squeeze %dma_wait3A_129 : memref<1x!tpu.dma_semaphore, #tpu.memory_space<semaphore_mem>> -> memref<!tpu.dma_semaphore, #tpu.memory_space<semaphore_mem>>
    %dma_wait3A_131 = arith.constant 0 : i32
    %dma_wait3A_132 = tpu.memref_slice %arg4[%dma_wait3A_121, %dma_wait3A_131, %mul3A_2] : memref<200x64x4096xf32, #tpu.memory_space<hbm>> -> memref<1x64x128xf32, #tpu.memory_space<hbm>>
    %dma_wait3A_133 = tpu.memref_squeeze %dma_wait3A_132 : memref<1x64x128xf32, #tpu.memory_space<hbm>> -> memref<64x128xf32, #tpu.memory_space<hbm>>
    %dma_wait3A_134 = arith.constant 64 : i32
    %dma_wait3A_135 = arith.constant 0 : i32
    %dma_wait3A_136 = tpu.memref_slice %arg8[%dma_wait3A_134, %dma_wait3A_135] : memref<128x128xf32, #tpu.memory_space<vmem>> -> memref<64x128xf32, #tpu.memory_space<vmem>>
    tpu.wait_dma2 semaphore(%dma_wait3A_130 : memref<!tpu.dma_semaphore, #tpu.memory_space<semaphore_mem>>) src(%dma_wait3A_136 : memref<64x128xf32, #tpu.memory_space<vmem>>) dst(%dma_wait3A_133 : memref<64x128xf32, #tpu.memory_space<hbm>>)
    return
  }
}

</mosaic_0001>

<sc_bundles>
// kernel: _emb_lookup.3.cloned.1.call-start
scs
__scs_entry_jumppad:
0x0: {  	(pc) =	sbr.rel $0x88, $3  }
0x1: {  	(tag) =	ssettag $0x0;
	lr =	simm.s32 $0x1  }
0x2: {  	[smem:$0x3F9F] =	sst lr;
	_ =	strace $0xD0000000  }
0x3: {  	_ = 	snop  }
0x4: {  	_ = 	snop  }
0x5: {  	_ = 	snop  }
0x6: {  	_ = 	snop  }
0x7: {  	_ = 	snop  }
__scs_overlays_trampoline_lowered:
0x8: {  	[smem:$0x3FAE] =	sst s0  }
0x9: {  	[smem:$0x3FAF] =	sst s1  }
0xa: {  	[smem:$0x3FB0] =	sst s2  }
0xb: {  	[smem:$0x3FB1] =	sst s3  }
0xc: {  	[smem:$0x3FB2] =	sst s4  }
0xd: {  	[smem:$0x3FB3] =	sst s5  }
0xe: {  	[smem:$0x3FB4] =	sst s6  }
0xf: {  	[smem:$0x3FB5] =	sst s7  }
0x10: {  	[smem:$0x3FB6] =	sst s8  }
0x11: {  	[smem:$0x3FB7] =	sst s9;
	s0 =	simm.s32 @!p0 $0x0  }
0x12: {  	s1 =	sld [smem:$0x3F9D];
	s0 =	simm.s32 @p0 $0x1  }
0x13: {  	[smem:$0x3FB8] =	sst s0;
	s0 =	simm.s32 @!p1 $0x0  }
0x14: {  	s2 =	sld [smem:$0x3F9C];
	s0 =	simm.s32 @p1 $0x1  }
0x15: {  	[smem:$0x3FB9] =	sst s0;
	s0 =	simm.s32 @!p2 $0x0  }
0x16: {  	s3 =	sld [smem:$0x3FDB];
	s0 =	simm.s32 @p2 $0x1  }
0x17: {  	s4 =	simm.s32 $0x1BF5;
	[smem:$0x3FBB] =	sst s0  }
0x18: {  	s0 =	sld [smem:$0x3F9E];
	_ =	swait.ge [sflag:s4], $0x0  }
0x19: {  	s7 =	sld [smem:$0x3F9F]  }
0x1a: {  	s8 =	sadd.s32 $0xFFFFE003, lr  }
0x1b: {  	s9 =	sadd.s32 $0xFFFFFEF7, lr;
	s5 =	simm.s32 $0xFFFFFFFF;
	p2 =	slt.u32 s8, $0xFFFFF086  }
0x1c: {  	p1 =	slt.u32 s9, $0xF7A;
	s5 =	simm.s32 @!p2 $0x0  }
0x1d: {  	s5 =	simm.s32 @p1 $0x1;
	p0 =	seq.s32 s7, s2  }
0x1e: {  	s7 =	smul.u32 @!p0 $0xF7A, s2;
	p2 =	seq.s32 @!p0 s5, $0x0  }
0x1f: {  	s9 =	smul.u32 $0xF7A, s1;
	s8 =	simm.s32 @!p0 $0x1BF5;
	p2 =	por !p2, p0  }
0x20: {  	[sflag:s8] =	ssyncset.s32 @!p0 $0xFFFFF086;
	s6 =	sadd.s32 @!p0 s3, s7;
	s7 =	simm.s32 @!p0 $0x108  }
0x21: {  	s3 =	sadd.s32 s3, s9;
	s6 =	sadd.s32 @!p0 $0x88, s6;
	s7 =	simm.s32 @p2 $0x1082  }
0x22: {  	[simem:s7], [sflag:s8] =	dma.local @!p0 [hbm:s6], $0xF7A  }
0x23: {  	s9 =	sor.u32 $0xD0000000, s2;
	s6 =	simm.s32 $0x108;
	_ =	swait.ge @!p0 [sflag:s8], $0x0  }
0x24: {  	s3 =	sadd.s32 $0x88, s3;
	s6 =	simm.s32 @!p1 $0x1082;
	[sflag:s4] =	ssyncset.s32 $0xFFFFF086  }
0x25: {  	[simem:s6], [sflag:s4] =	dma.local [hbm:s3], $0xF7A  }
0x26: {  	[smem:$0x3F9F] =	sst s1;
	(tag) =	ssettag s2;
	_ =	strace s9  }
0x27: {  	s1 =	sld [smem:$0x3FAF]  }
0x28: {  	s2 =	sld [smem:$0x3FB0]  }
0x29: {  	s4 =	sld [smem:$0x3FB2]  }
0x2a: {  	p0 =	seq.s32 s5, $0x0;
	s5 =	sld [smem:$0x3FB3]  }
0x2b: {  	s6 =	sld [smem:$0x3FB4]  }
0x2c: {  	s7 =	sld [smem:$0x3FB5]  }
0x2d: {  	s3 =	simm.s32 $0x108;
	s8 =	sld [smem:$0x3FB6]  }
0x2e: {  	s3 =	simm.s32 @!p0 $0x1082;
	s9 =	sld [smem:$0x3FB7]  }
0x2f: {  	lr =	sadd.s32 s0, s3;
	s0 =	sld [smem:$0x3FAE]  }
0x30: {  	s3 =	sld [smem:$0x3FB1]  }
0x31: {  	[smem:$0x3FBA] =	sst s10  }
0x32: {  	s10 =	sld [smem:$0x3FB8];
	_ =	sdelay $0x3  }
0x33: {  	p0 =	seq.s32 s10, $0x1;
	s10 =	sld [smem:$0x3FBA];
	_ =	sdelay $0x3  }
0x34: {  	[smem:$0x3FBA] =	sst s10  }
0x35: {  	s10 =	sld [smem:$0x3FB9];
	_ =	sdelay $0x3  }
0x36: {  	p1 =	seq.s32 s10, $0x1;
	s10 =	sld [smem:$0x3FBA];
	_ =	sdelay $0x3  }
0x37: {  	[smem:$0x3FBA] =	sst s10  }
0x38: {  	s10 =	sld [smem:$0x3FBB]  }
0x39: {  	_ = 	snop;
	(pc) =	sbr.ind lr, $3  }
0x3a: {  	_ = 	snop  }
0x3b: {  	_ = 	snop  }
0x3c: {  	p2 =	seq.s32 s10, $0x1;
	s10 =	sld [smem:$0x3FBA]  }
0x3d: {  	_ =	shalt  }
0x3e: {  	_ =	shalt  }
0x3f: {  	_ =	shalt  }
0x40: {  	_ =	shalt  }
0x41: {  	_ =	shalt  }
0x42: {  	_ =	shalt  }
0x43: {  	_ =	shalt  }
0x44: {  	_ =	shalt  }
0x45: {  	_ =	shalt  }
0x46: {  	_ =	shalt  }
0x47: {  	_ =	shalt  }
0x48: {  	_ =	shalt  }
0x49: {  	_ =	shalt  }
0x4a: {  	_ =	shalt  }
0x4b: {  	_ =	shalt  }
0x4c: {  	_ =	shalt  }
0x4d: {  	_ =	shalt  }
0x4e: {  	_ =	shalt  }
0x4f: {  	_ =	shalt  }
0x50: {  	_ =	shalt  }
0x51: {  	_ =	shalt  }
0x52: {  	_ =	shalt  }
0x53: {  	_ =	shalt  }
0x54: {  	_ =	shalt  }
0x55: {  	_ =	shalt  }
0x56: {  	_ =	shalt  }
0x57: {  	_ =	shalt  }
0x58: {  	_ =	shalt  }
0x59: {  	_ =	shalt  }
0x5a: {  	_ =	shalt  }
0x5b: {  	_ =	shalt  }
0x5c: {  	_ =	shalt  }
0x5d: {  	_ =	shalt  }
0x5e: {  	_ =	shalt  }
0x5f: {  	_ =	shalt  }
0x60: {  	_ =	shalt  }
0x61: {  	_ =	shalt  }
0x62: {  	_ =	shalt  }
0x63: {  	_ =	shalt  }
0x64: {  	_ =	shalt  }
0x65: {  	_ =	shalt  }
0x66: {  	_ =	shalt  }
0x67: {  	_ =	shalt  }
0x68: {  	_ =	shalt  }
0x69: {  	_ =	shalt  }
0x6a: {  	_ =	shalt  }
0x6b: {  	_ =	shalt  }
0x6c: {  	_ =	shalt  }
0x6d: {  	_ =	shalt  }
0x6e: {  	_ =	shalt  }
0x6f: {  	_ =	shalt  }
0x70: {  	_ =	shalt  }
0x71: {  	_ =	shalt  }
0x72: {  	_ =	shalt  }
0x73: {  	_ =	shalt  }
0x74: {  	_ =	shalt  }
0x75: {  	_ =	shalt  }
0x76: {  	_ =	shalt  }
0x77: {  	_ =	shalt  }
0x78: {  	_ =	shalt  }
0x79: {  	_ =	shalt  }
0x7a: {  	_ =	shalt  }
0x7b: {  	_ =	shalt  }
0x7c: {  	_ =	shalt  }
0x7d: {  	_ =	shalt  }
0x7e: {  	_ =	shalt  }
0x7f: {  	_ =	shalt  }
0x80: {  	_ =	shalt  }
0x81: {  	_ =	shalt  }
0x82: {  	_ =	shalt  }
0x83: {  	_ =	shalt  }
0x84: {  	_ =	shalt  }
0x85: {  	_ =	shalt  }
0x86: {  	_ =	shalt  }
0x87: {  	_ =	shalt  }
.Lfunc_end0:
.L_simem_size_0:
called_computation_lowered:
.L_overlay_start_0:
0x88: {  	s2 =	sld [smem:$0x3FD9]  }
0x89: {  	s3 =	sld [smem:$0x3FFE];
	_ =	sdelay $0x1  }
0x8a: {  	s1 =	srdreg.scid  }
0x8b: {  	s0 =	sand.u32 $0x1, s1  }
0x8c: {  	s18 =	sshll.u32 s0, $0xA;
	s2 =	sadd.s32 s3, s2  }
0x8d: {  	s2 =	sadd.s32 s2, s18  }
0x8e: {  	[smem:$0x3FC6] =	sst s2  }
0x8f: {  	_ = 	snop  }
0x90: {  	s2 =	sld [smem:$0x3FC9]  }
0x91: {  	s19 =	sld [smem:$0x3FC8]  }
0x92: {  	s4 =	sld [smem:$0x3FD0];
	(tm) =	ssettm $0x1  }
0x93: {  	s5 =	sld [smem:$0x3FFB];
	_ =	sdelay $0x3  }
0x94: {  	_ =	strace s5  }
0x95: {  	s5 =	sld [smem:$0x3FFC];
	_ =	sdelay $0x3  }
0x96: {  	_ =	strace s5  }
0x97: {  	s5 =	sld [smem:$0x3FFD];
	_ =	sdelay $0x3  }
0x98: {  	_ =	strace s5  }
0x99: {  	_ =	strace $0x8FFFFFFF  }
0x9a: {  	s20 =	sld [smem:$0x3FDB];
	_ =	sdelay $0x1  }
0x9b: {  	s6 =	simm.s32 $_scs_section_size  }
0x9c: {  	s7 =	simm.s32 $_size__tile_overlayer_lowered;
	s8 =	simm.s32 $_tile_overlayer_lowered  }
0x9d: {  	s23 =	simm.s32 $0x1BFF;
	s22 =	sshll.u32 s8, $0x1;
	s5 =	sadd.s32 s6, s20  }
0x9e: {  	s9 =	simm.s32 $0x0;
	s21 =	sshll.u32 s7, $0x1;
	s7 =	sadd.s32 s22, s5  }
0x9f: {  	[timem:s9], [sflag:s23] =	dma.local [hbm:s7], s21  }
0xa0: {  	_ =	swait.ge [sflag:s23], s21  }
0xa1: {  	s6 =	ssub.s32 $0x0, s21;
	[sflag:s23] =	ssyncset.done $0x0  }
0xa2: {  	[sflag:s23] =	ssyncadd.s32 s6;
	_ =	sdelay $0x1  }
0xa3: {  	s24 =	simm.s32 $0x1B8B  }
0xa4: {  	_ =	swait.ge [sflag:s24], $0x1  }
0xa5: {  	[sflag:s24] =	ssyncset.done $0x0  }
0xa6: {  	s25 =	simm.s32 $0x1B8E;
	[sflag:s24] =	ssyncadd.s32 $0xFFFFFFFF  }
0xa7: {  	s26 =	simm.s32 $execute0_lowered;
	[smem:$0x3FD2] =	sst s25  }
0xa8: {  	s6 =	sshll.u32 s26, $0x1;
	_ =	strace $0x80000046;
	[dreg:$0x1] =	wrdreg $0xFFFFFFFF  }
0xa9: {  	s28 =	simm.s32 $_size_execute0_lowered;
	s5 =	sadd.s32 s5, s6;
	[dreg:$0x0] =	wrdreg $0x0  }
0xaa: {  	s6 =	sshll.u32 s28, $0x1;
	[dreg:$0x2] =	wrdreg s5  }
0xab: {  	[dreg:$0x3] =	wrdreg s6  }
0xac: {  	[dreg:$0x4] =	wrdreg $0xC0  }
0xad: {  	_ =	task [dreg:s9], $0x5FFFF  }
0xae: {  	[dreg:$0x1] =	wrdreg $0xFFFFFFFF  }
0xaf: {  	[dreg:$0x0] =	wrdreg $0x60  }
0xb0: {  	[dreg:$0x2] =	wrdreg s2  }
0xb1: {  	[dreg:$0x3] =	wrdreg s19  }
0xb2: {  	[dreg:$0x4] =	wrdreg s4  }
0xb3: {  	[dreg:$0x5] =	wrdreg $0x9  }
0xb4: {  	_ =	task.clear_ibuf [dreg:s9], $0x6FFFF;
	_ =	strace $0x90000046  }
0xb5: {  	s29 =	simm.s32 $0x9;
	_ =	strace $0x80000048  }
0xb6: {  	_ =	swait.ge [sflag:s29], $0x1  }
0xb7: {  	[sflag:s29] =	ssyncadd.s32 $0xFFFFFFFF  }
0xb8: {  	_ =	strace $0x90000048  }
0xb9: {  	_ =	sfence  }
0xba: {  	s30 =	sld [smem:$0x0];
	_ =	sdelay $0x2  }
0xbb: {  	s31 =	sshll.u32 s1, $0xD;
	s1 =	sshrl.u32 s1, $0x2  }
0xbc: {  	s3 =	sand.u32 $0x4000, s31;
	s1 =	sadd.s32 s1, s30  }
0xbd: {  	s0 =	sor.u32 s3, s0;
	s1 =	sshll.u32 s1, $0x11  }
0xbe: {  	s0 =	sor.u32 s1, s0  }
0xbf: {  	s0 =	sadd.s32 $0x8F2B, s0  }
0xc0: {  	[sflag:s0] =	ssyncadd.remote.s32 $0x1  }
0xc1: {  	_ =	sfence.sel $0xFFFF  }
0xc2: {  	[dreg:$0x0] =	wrdreg $0xFFFFFFFF;
	(pc) =	sbr.abs _section_cstart, $3  }
0xc3: {  	[dreg:$0x1] =	wrdreg $0xFFFFFFFF  }
0xc4: {  	_ =	task.clear_ibuf [dreg:s9], $0x2FFFF;
	_ =	strace $0x9FFFFFFF  }
0xc5: {  	(tm) =	ssettm $0x7FFFFFFF  }
tec
execute0_lowered:
.L_overlay_start_1:
0x0: {  	(tag) =	ssettag $0x1  }
0x1: {  	s0 =	rddreg [dreg:$0x0]  }
0x2: {  	s2 =	rddreg [dreg:$0x1]  }
0x3: {  	s3 =	rddreg [dreg:$0x2]  }
0x4: {  	s1 =	srdreg.scid;
	s4 =	stileid.u32  }
0x5: {  	s8 =	simm.s32 $0x400;
	s9 =	simm.s32 $0x8000;
	s10 =	simm.s32 $0x5  }
0x6: {  	s12 =	simm.s32 $0x6400;
	s13 =	simm.s32 $0x6500;
	s14 =	simm.s32 $0x3  }
0x7: {  	s15 =	simm.s32 $0x4;
	s16 =	simm.s32 $0x0;
	s1 =	sand.u32 $0x1, s1  }
0x8: {  	s5 =	sshll.u32 s4, $0xB;
	s6 =	ssub.s32 $0x2, s1;
	s1 =	sshll.u32 s1, $0xA  }
0x9: {  	s4 =	simm.s32 $0x0;
	s7 =	sshrl.u32 s6, $0x1;
	s5 =	sor.u32 s1, s5  }
0xa: {  	v0 =	vlaneseq.u32;
	[smem:$0x7FF] =	sst s4;
	s30 =	ssub.s32 s6, s7;
	s31 =	sshrl.u32 s5, $0x3  }
0xb: {  	v0 =	vmul.u32 $0x80, v0;
	_ =	strace $0x80000047;
	s6 =	sadd.s32 s0, s31;
	s7 =	smax.u32 s30, $0x1  }
.LBB2_1:
0xc: {  	[tilespmem:s4], [sflag:$0x5] =	stream.strided.gather [hbm4b:s6+s8], $0x6400, s9, s8, $0x38;
	[tilespmem:$0x12500] =	vst v63  }
0xd: {  	_ =	swait.ge [sflag:s10], $0x6400  }
0xe: {  	[sflag:s10] =	ssyncset.done $0x0  }
0xf: {  	[sflag:s10] =	ssyncadd.s32 $0xFFFF9C00  }
0x10: {  	v1 =	vld [tilespmem:$0x0]  }
0x11: {  	v2 =	vld [tilespmem:$0x10]  }
0x12: {  	v3 =	vld [tilespmem:$0x20]  }
0x13: {  	v4 =	vld [tilespmem:$0x30]  }
0x14: {  	v5 =	vld [tilespmem:$0x40]  }
0x15: {  	v6 =	vld [tilespmem:$0x50];
	v1 =	vshra.s32 v1, $0x1  }
0x16: {  	[tilespmem:$0x6400] =	vst v1;
	v1 =	vshra.s32 v2, $0x1;
	v2 =	vld [tilespmem:$0x60]  }
0x17: {  	[tilespmem:$0x6410] =	vst v1;
	v1 =	vshra.s32 v3, $0x1;
	v3 =	vld [tilespmem:$0x70]  }
0x18: {  	[tilespmem:$0x6420] =	vst v1;
	v1 =	vshra.s32 v4, $0x1  }
0x19: {  	[tilespmem:$0x6430] =	vst v1;
	v1 =	vshra.s32 v5, $0x1  }
0x1a: {  	[tilespmem:$0x6440] =	vst v1;
	v1 =	vshra.s32 v6, $0x1  }
0x1b: {  	[tilespmem:$0x6450] =	vst v1;
	v1 =	vshra.s32 v2, $0x1  }
0x1c: {  	[tilespmem:$0x6460] =	vst v1;
	v1 =	vshra.s32 v3, $0x1  }
0x1d: {  	s0 =	simm.s32 $0x80;
	p0 =	por $0x0, $0x0;
	s18 =	simm.s32 $0x0;
	[tilespmem:$0x6470] =	vst v1  }
0x1e: {  	[tilespmem:s13], [sflag:$0x1] =	stream.indirect.gather [hbm4b:s2+s0], $0x80, s12, s0, $0xb8;
	[tilespmem:$0x12500] =	vst v63  }
.LBB2_2:
0x1f: {  	s17 =	sadd.s32 $0x1, s18;
	p1 =	seq.s32 s18, $0xC7  }
0x20: {  	s0 =	sshll.u32 @!p1 s17, $0x7  }
0x21: {  	s0 =	sand.u32 @!p1 $0x3FFFFF80, s0  }
0x22: {  	v1 =	vld @!p1 [tilespmem:s0+$0x0];
	_ =	sdelay $0x3  }
0x23: {  	s1 =	sand.u32 @!p1 $0x1, s17  }
0x24: {  	s20 =	sshll.u32 @!p1 s1, $0x7;
	v1 =	vshra.s32 @!p1 v1, $0x1  }
0x25: {  	[tilespmem:s20+$0x6400] =	vst @!p1 v1  }
0x26: {  	v1 =	vld @!p1 [tilespmem:s0+$0x10];
	_ =	sdelay $0x4  }
0x27: {  	v1 =	vshra.s32 @!p1 v1, $0x1  }
0x28: {  	[tilespmem:s20+$0x6410] =	vst @!p1 v1  }
0x29: {  	v1 =	vld @!p1 [tilespmem:s0+$0x20];
	_ =	sdelay $0x4  }
0x2a: {  	v1 =	vshra.s32 @!p1 v1, $0x1  }
0x2b: {  	[tilespmem:s20+$0x6420] =	vst @!p1 v1  }
0x2c: {  	v1 =	vld @!p1 [tilespmem:s0+$0x30];
	_ =	sdelay $0x4  }
0x2d: {  	v1 =	vshra.s32 @!p1 v1, $0x1  }
0x2e: {  	[tilespmem:s20+$0x6430] =	vst @!p1 v1  }
0x2f: {  	v1 =	vld @!p1 [tilespmem:s0+$0x40];
	_ =	sdelay $0x4  }
0x30: {  	v1 =	vshra.s32 @!p1 v1, $0x1  }
0x31: {  	[tilespmem:s20+$0x6440] =	vst @!p1 v1  }
0x32: {  	v1 =	vld @!p1 [tilespmem:s0+$0x50];
	_ =	sdelay $0x4  }
0x33: {  	v1 =	vshra.s32 @!p1 v1, $0x1  }
0x34: {  	[tilespmem:s20+$0x6450] =	vst @!p1 v1  }
0x35: {  	v1 =	vld @!p1 [tilespmem:s0+$0x60];
	_ =	sdelay $0x4  }
0x36: {  	v1 =	vshra.s32 @!p1 v1, $0x1  }
0x37: {  	[tilespmem:s20+$0x6460] =	vst @!p1 v1  }
0x38: {  	v1 =	vld @!p1 [tilespmem:s0+$0x70];
	_ =	sdelay $0x4  }
0x39: {  	s19 =	sand.u32 $0x1, s18;
	s21 =	sshll.u32 @!p1 s1, $0xE;
	s1 =	sadd.s32 @!p1 $0x1, s1;
	v1 =	vshra.s32 @!p1 v1, $0x1  }
0x3a: {  	s0 =	sor.u32 @!p1 $0x6400, s20;
	[tilespmem:s20+$0x6470] =	vst @!p1 v1;
	s20 =	sadd.s32 @!p1 $0x6500, s21;
	s21 =	simm.s32 @!p1 $0x80  }
0x3b: {  	[tilespmem:s20], [sflag:s1] =	stream.indirect.gather @!p1 [hbm4b:s2+s21], $0x80, s0, s21, $0xb8;
	[tilespmem:$0x12500] =	vst v63  }
0x3c: {  	s21 =	sadd.s32 $0x1, s19  }
0x3d: {  	_ =	swait.ge [sflag:s21], $0x4000  }
0x3e: {  	p1 =	slt.u32 s18, $0x2;
	[sflag:s21] =	ssyncset.done $0x0  }
0x3f: {  	s0 =	sadd.s32 @!p1 $0x3, s19;
	[sflag:s21] =	ssyncadd.s32 $0xFFFFC000  }
0x40: {  	_ =	swait.ge @!p1 [sflag:s0], $0x2000  }
0x41: {  	s22 =	sshll.u32 s18, $0x7;
	[sflag:s0] =	ssyncset.done @!p1 $0x0  }
0x42: {  	s21 =	sand.u32 $0x3FFFFF80, s22;
	[sflag:s0] =	ssyncadd.s32 @!p1 $0xFFFFE000  }
0x43: {  	v1 =	vld [tilespmem:s21+$0x0];
	_ =	sdelay $0x2  }
0x44: {  	s22 =	sshll.u32 s19, $0x7  }
0x45: {  	v2 =	vmov s22  }
0x46: {  	v2 =	vshll.u32 v2, $0x7;
	v1 =	vshll.u32 v1, $0x6  }
0x47: {  	v2 =	vor.u32 v0, v2;
	v1 =	vand.u32 $0x40, v1  }
0x48: {  	s23 =	simm.s32 $0x7;
	v1 =	vor.u32 v2, v1  }
0x49: {  	s24 =	simm.s32 $0x1;
	v2 =	vor.u32 s23, v1  }
0x4a: {  	s25 =	simm.s32 $0x2;
	v3 =	vor.u32 s24, v1  }
0x4b: {  	s26 =	simm.s32 $0x3;
	v4 =	vor.u32 s25, v1  }
0x4c: {  	s1 =	simm.s32 $0x4;
	v5 =	vor.u32 s26, v1  }
0x4d: {  	s11 =	simm.s32 $0x5;
	v6 =	vor.u32 s1, v1  }
0x4e: {  	v7 =	vor.u32 s11, v1;
	s23 =	simm.s32 $0x0;
	v8 =	vld.idx.msk [tilespmem:v2+s13+$0x0], $0xffff  }
0x4f: {  	s20 =	simm.s32 $0x6;
	v10 =	vor.u32 s23, v1;
	v9 =	vld.idx.msk [tilespmem:v3+s13+$0x0], $0xffff  }
0x50: {  	s24 =	simm.s32 $0xF;
	v2 =	vor.u32 s20, v1;
	v12 =	vld.idx.msk [tilespmem:v4+s13+$0x0], $0xffff  }
0x51: {  	s0 =	simm.s32 $0x1;
	s25 =	simm.s32 $0x9;
	v13 =	vor.u32 s24, v1;
	v14 =	vld.idx.msk [tilespmem:v5+s13+$0x0], $0xffff  }
0x52: {  	s0 =	simm.s32 @!p0 $0x0;
	s26 =	simm.s32 $0xA;
	v15 =	vor.u32 s25, v1;
	v16 =	vld.idx.msk [tilespmem:v6+s13+$0x0], $0xffff  }
0x53: {  	s0 =	sshll.u32 s0, $0xD;
	s11 =	simm.s32 $0xB;
	v17 =	vor.u32 s26, v1;
	v3 =	vld.idx.msk [tilespmem:v7+s13+$0x0], $0xffff  }
0x54: {  	s28 =	simm.s32 $0xC;
	s31 =	simm.s32 $0xE;
	s30 =	sadd.s32 $0xE700, s0;
	v11 =	vor.u32 s11, v1;
	v4 =	vld.idx.msk [tilespmem:v10+s13+$0x0], $0xffff;
	v6 =	vmul.f32 $8.000000000e+00, v8  }
0x55: {  	s29 =	sadd.s32 $0xE710, s0;
	s1 =	simm.s32 $0xD;
	s23 =	sadd.s32 $0xE760, s0;
	v2 =	vld.idx.msk [tilespmem:v2+s13+$0x0], $0xffff;
	v7 =	vmul.f32 $8.000000000e+00, v9;
	v8 =	vor.u32 s28, v1  }
0x56: {  	s24 =	sadd.s32 $0xE750, s0;
	s25 =	sadd.s32 $0xE740, s0;
	s26 =	sadd.s32 $0xE730, s0;
	v5 =	vld.idx.msk [tilespmem:v13+s13+$0x0], $0xffff;
	v18 =	vmul.f32 $8.000000000e+00, v12;
	v12 =	vor.u32 s1, v1;
	[tilespmem:s30+$0x180] =	vst v6  }
0x57: {  	s11 =	simm.s32 $0x8;
	s20 =	sadd.s32 $0xE770, s0;
	v10 =	vor.u32 s31, v1;
	s31 =	simm.s32 $0x10;
	v13 =	vmul.f32 $8.000000000e+00, v14;
	v6 =	vld.idx.msk [tilespmem:v15+s13+$0x0], $0xffff;
	[tilespmem:s30+$0xFFFFFE80] =	vst v7  }
0x58: {  	s28 =	sadd.s32 $0xE720, s0;
	s1 =	simm.s32 $0x17;
	s0 =	simm.s32 $0x18;
	v9 =	vor.u32 s11, v1;
	v14 =	vmul.f32 $8.000000000e+00, v16;
	v7 =	vld.idx.msk [tilespmem:v17+s13+$0x0], $0xffff;
	[tilespmem:s30+$0xFFFFFF00] =	vst v18  }
.LBB2_3:
0x59: {  	p1 =	slt.u32 s0, $0x38;
	s11 =	sadd.s32 $0x1, s31;
	v15 =	vor.u32 s1, v1;
	v16 =	vld.idx.msk [tilespmem:v11+s13+$0x0], $0xffff;
	[tilespmem:s30+$0xFFFFFF80] =	vst v13;
	v11 =	vmul.f32 $8.000000000e+00, v3  }
0x5a: {  	s1 =	sadd.s32 $0x2, s31;
	v13 =	vor.u32 s11, v1;
	v17 =	vld.idx.msk [tilespmem:v8+s13+$0x0], $0xffff;
	[tilespmem:s30+$0x0] =	vst v14;
	v8 =	vmul.f32 $8.000000000e+00, v2  }
0x5b: {  	v14 =	vor.u32 s1, v1;
	s1 =	sadd.s32 $0x3, s31;
	v3 =	vld.idx.msk [tilespmem:v12+s13+$0x0], $0xffff;
	v12 =	vmul.f32 $8.000000000e+00, v4;
	[tilespmem:s30+$0x80] =	vst v11  }
.Ltmp0:
0x5c: {  	v11 =	vor.u32 s1, v1;
	s1 =	sadd.s32 $0x4, s31;
	v2 =	vld.idx.msk [tilespmem:v10+s13+$0x0], $0xffff;
	v10 =	vmul.f32 $8.000000000e+00, v5;
	[tilespmem:s30+$0x100] =	vst v8;
	(pc) =	sbr.rel @p1 .LBB2_3-.Ltmp0, $4  }
0x5d: {  	v8 =	vor.u32 s1, v1;
	s1 =	sadd.s32 $0x5, s31;
	v4 =	vld.idx.msk [tilespmem:v9+s13+$0x0], $0xffff;
	v9 =	vmul.f32 $8.000000000e+00, v6;
	[tilespmem:s30+$0xFFFFFE00] =	vst v12;
	s30 =	sadd.s32 $0x400, s30  }
0x5e: {  	v12 =	vor.u32 s1, v1;
	s1 =	sadd.s32 $0x6, s31;
	v5 =	vld.idx.msk [tilespmem:v15+s13+$0x0], $0xffff;
	v15 =	vmul.f32 $8.000000000e+00, v7;
	[tilespmem:s30+$0x180] =	vst v10  }
0x5f: {  	v10 =	vor.u32 s1, v1;
	v6 =	vld.idx.msk [tilespmem:v13+s13+$0x0], $0xffff;
	[tilespmem:s30+$0xFFFFFE80] =	vst v9;
	v13 =	vmul.f32 $8.000000000e+00, v16  }
0x60: {  	s1 =	sadd.s32 $0x7, s0;
	v9 =	vor.u32 s31, v1;
	s31 =	smov.u32 s0;
	s0 =	sadd.s32 $0x8, s0;
	v7 =	vld.idx.msk [tilespmem:v14+s13+$0x0], $0xffff;
	[tilespmem:s30+$0xFFFFFF00] =	vst v15;
	v14 =	vmul.f32 $8.000000000e+00, v17  }
0x61: {  	_ =	sdelay $0x2  }
0x62: {  	[tilespmem:s30+$0xFFFFFF80] =	vst v13;
	v3 =	vmul.f32 $8.000000000e+00, v3  }
0x63: {  	s0 =	sadd.s32 $0x1, s31;
	v13 =	vor.u32 s1, v1;
	v11 =	vld.idx.msk [tilespmem:v11+s13+$0x0], $0xffff;
	v2 =	vmul.f32 $8.000000000e+00, v2;
	[tilespmem:s30+$0x0] =	vst v14  }
0x64: {  	s11 =	sadd.s32 $0x2, s31;
	v8 =	vld.idx.msk [tilespmem:v8+s13+$0x0], $0xffff;
	v14 =	vor.u32 s0, v1;
	v4 =	vmul.f32 $8.000000000e+00, v4;
	[tilespmem:s30+$0x80] =	vst v3  }
0x65: {  	s1 =	sadd.s32 $0x3, s31;
	v9 =	vld.idx.msk [tilespmem:v9+s13+$0x0], $0xffff;
	v3 =	vor.u32 s11, v1;
	v5 =	vmul.f32 $8.000000000e+00, v5;
	[tilespmem:s30+$0x100] =	vst v2  }
0x66: {  	v12 =	vld.idx.msk [tilespmem:v12+s13+$0x0], $0xffff;
	v2 =	vor.u32 s1, v1;
	s11 =	sadd.s32 $0x4, s31;
	s1 =	sadd.s32 $0x400, s30;
	v6 =	vmul.f32 $8.000000000e+00, v6;
	[tilespmem:s30+$0xFFFFFE00] =	vst v4  }
0x67: {  	v10 =	vld.idx.msk [tilespmem:v10+s13+$0x0], $0xffff;
	v4 =	vor.u32 s11, v1;
	s11 =	sadd.s32 $0x5, s31;
	v7 =	vmul.f32 $8.000000000e+00, v7;
	[tilespmem:s1+$0x180] =	vst v5  }
0x68: {  	v5 =	vor.u32 s11, v1;
	s11 =	sadd.s32 $0x6, s31;
	v13 =	vld.idx.msk [tilespmem:v13+s13+$0x0], $0xffff;
	[tilespmem:s1+$0xFFFFFE80] =	vst v6;
	v6 =	vmul.f32 $8.000000000e+00, v11  }
0x69: {  	v11 =	vld.idx.msk [tilespmem:v14+s13+$0x0], $0xffff;
	v14 =	vor.u32 s11, v1;
	[tilespmem:s1+$0xFFFFFF00] =	vst v7;
	v7 =	vmul.f32 $8.000000000e+00, v8  }
0x6a: {  	v1 =	vor.u32 s31, v1;
	v8 =	vmul.f32 $8.000000000e+00, v9;
	v3 =	vld.idx.msk [tilespmem:v3+s13+$0x0], $0xffff;
	[tilespmem:s1+$0xFFFFFF80] =	vst v6  }
0x6b: {  	v6 =	vmul.f32 $8.000000000e+00, v12;
	v2 =	vld.idx.msk [tilespmem:v2+s13+$0x0], $0xffff;
	[tilespmem:s1+$0x0] =	vst v7  }
0x6c: {  	v7 =	vmul.f32 $8.000000000e+00, v10;
	v4 =	vld.idx.msk [tilespmem:v4+s13+$0x0], $0xffff;
	[tilespmem:s1+$0xFFFFFE00] =	vst v8  }
0x6d: {  	[tilespmem:s1+$0x80] =	vst v6;
	v5 =	vld.idx.msk [tilespmem:v5+s13+$0x0], $0xffff;
	v6 =	vmul.f32 $8.000000000e+00, v13  }
0x6e: {  	s31 =	sadd.s32 $0x400, s1;
	[tilespmem:s1+$0x100] =	vst v7;
	v7 =	vld.idx.msk [tilespmem:v14+s13+$0x0], $0xffff;
	v9 =	vmul.f32 $8.000000000e+00, v11  }
0x6f: {  	v1 =	vld.idx.msk [tilespmem:v1+s13+$0x0], $0xffff;
	v3 =	vmul.f32 $8.000000000e+00, v3;
	[tilespmem:s31+$0x180] =	vst v6  }
0x70: {  	v2 =	vmul.f32 $8.000000000e+00, v2;
	[tilespmem:s31+$0xFFFFFE80] =	vst v9  }
0x71: {  	[tilespmem:s31+$0xFFFFFF00] =	vst v3;
	v3 =	vmul.f32 $8.000000000e+00, v4  }
0x72: {  	[tilespmem:s31+$0xFFFFFF80] =	vst v2;
	v2 =	vmul.f32 $8.000000000e+00, v5  }
0x73: {  	[tilespmem:s31+$0x0] =	vst v3;
	v3 =	vmul.f32 $8.000000000e+00, v7  }
0x74: {  	v1 =	vmul.f32 $8.000000000e+00, v1;
	[tilespmem:s31+$0x80] =	vst v2  }
0x75: {  	[tilespmem:s31+$0x100] =	vst v3  }
0x76: {  	[tilespmem:s31+$0xFFFFFE00] =	vst v1  }
0x77: {  	v1 =	vld [tilespmem:s21+$0x10];
	_ =	sdelay $0x2  }
0x78: {  	s1 =	sor.u32 $0x10, s22  }
0x79: {  	v2 =	vmov s1  }
0x7a: {  	v2 =	vshll.u32 v2, $0x7;
	v1 =	vshll.u32 v1, $0x6  }
0x7b: {  	v2 =	vor.u32 v0, v2;
	v1 =	vand.u32 $0x40, v1  }
0x7c: {  	s11 =	simm.s32 $0x7;
	v1 =	vor.u32 v2, v1  }
0x7d: {  	s31 =	simm.s32 $0x1;
	v2 =	vor.u32 s11, v1  }
0x7e: {  	s1 =	simm.s32 $0x2;
	v3 =	vor.u32 s31, v1  }
0x7f: {  	v4 =	vor.u32 s1, v1;
	s11 =	simm.s32 $0x3  }
0x80: {  	s31 =	simm.s32 $0x4;
	v5 =	vor.u32 s11, v1  }
0x81: {  	s1 =	simm.s32 $0x5;
	v6 =	vor.u32 s31, v1  }
0x82: {  	v7 =	vor.u32 s1, v1;
	s11 =	simm.s32 $0x6;
	v8 =	vld.idx.msk [tilespmem:v2+s13+$0x0], $0xffff  }
0x83: {  	s31 =	simm.s32 $0x0;
	v9 =	vld.idx.msk [tilespmem:v3+s13+$0x0], $0xffff;
	v2 =	vor.u32 s11, v1  }
0x84: {  	s11 =	simm.s32 $0xF;
	v3 =	vor.u32 s31, v1;
	v4 =	vld.idx.msk [tilespmem:v4+s13+$0x0], $0xffff  }
0x85: {  	s31 =	simm.s32 $0x9;
	v10 =	vor.u32 s11, v1;
	v13 =	vld.idx.msk [tilespmem:v5+s13+$0x0], $0xffff  }
0x86: {  	s1 =	simm.s32 $0xA;
	v14 =	vor.u32 s31, v1;
	v15 =	vld.idx.msk [tilespmem:v6+s13+$0x0], $0xffff  }
0x87: {  	v6 =	vor.u32 s1, v1;
	v7 =	vld.idx.msk [tilespmem:v7+s13+$0x0], $0xffff;
	s11 =	simm.s32 $0xB  }
0x88: {  	s31 =	simm.s32 $0xC;
	v12 =	vor.u32 s11, v1;
	v2 =	vld.idx.msk [tilespmem:v2+s13+$0x0], $0xffff;
	v11 =	vmul.f32 $8.000000000e+00, v8  }
0x89: {  	s1 =	simm.s32 $0xD;
	v3 =	vld.idx.msk [tilespmem:v3+s13+$0x0], $0xffff;
	v9 =	vmul.f32 $8.000000000e+00, v9;
	v8 =	vor.u32 s31, v1  }
0x8a: {  	s31 =	simm.s32 $0xE;
	v16 =	vmul.f32 $8.000000000e+00, v4;
	v5 =	vld.idx.msk [tilespmem:v10+s13+$0x0], $0xffff;
	[tilespmem:s29+$0x180] =	vst v11;
	v11 =	vor.u32 s1, v1  }
0x8b: {  	s11 =	simm.s32 $0x8;
	v4 =	vld.idx.msk [tilespmem:v14+s13+$0x0], $0xffff;
	v10 =	vor.u32 s31, v1;
	v13 =	vmul.f32 $8.000000000e+00, v13;
	[tilespmem:s29+$0xFFFFFE80] =	vst v9  }
0x8c: {  	s0 =	simm.s32 $0x18;
	s30 =	simm.s32 $0x10;
	v6 =	vld.idx.msk [tilespmem:v6+s13+$0x0], $0xffff;
	v14 =	vmul.f32 $8.000000000e+00, v15;
	s1 =	simm.s32 $0x17;
	v9 =	vor.u32 s11, v1;
	[tilespmem:s29+$0xFFFFFF00] =	vst v16  }
.LBB2_5:
0x8d: {  	p1 =	slt.u32 s0, $0x38;
	s11 =	sadd.s32 $0x1, s30;
	v15 =	vor.u32 s1, v1;
	v16 =	vld.idx.msk [tilespmem:v12+s13+$0x0], $0xffff;
	[tilespmem:s29+$0xFFFFFF80] =	vst v13;
	v12 =	vmul.f32 $8.000000000e+00, v7  }
0x8e: {  	s1 =	sadd.s32 $0x2, s30;
	v13 =	vor.u32 s11, v1;
	v17 =	vld.idx.msk [tilespmem:v8+s13+$0x0], $0xffff;
	[tilespmem:s29+$0x0] =	vst v14;
	v8 =	vmul.f32 $8.000000000e+00, v2  }
0x8f: {  	v14 =	vor.u32 s1, v1;
	s1 =	sadd.s32 $0x3, s30;
	v7 =	vld.idx.msk [tilespmem:v11+s13+$0x0], $0xffff;
	v11 =	vmul.f32 $8.000000000e+00, v3;
	[tilespmem:s29+$0x80] =	vst v12  }
.Ltmp1:
0x90: {  	v12 =	vor.u32 s1, v1;
	s1 =	sadd.s32 $0x4, s30;
	v2 =	vld.idx.msk [tilespmem:v10+s13+$0x0], $0xffff;
	v10 =	vmul.f32 $8.000000000e+00, v5;
	[tilespmem:s29+$0x100] =	vst v8;
	(pc) =	sbr.rel @p1 .LBB2_5-.Ltmp1, $4  }
0x91: {  	v8 =	vor.u32 s1, v1;
	s1 =	sadd.s32 $0x5, s30;
	v3 =	vld.idx.msk [tilespmem:v9+s13+$0x0], $0xffff;
	v9 =	vmul.f32 $8.000000000e+00, v4;
	[tilespmem:s29+$0xFFFFFE00] =	vst v11;
	s29 =	sadd.s32 $0x400, s29  }
0x92: {  	v11 =	vor.u32 s1, v1;
	s1 =	sadd.s32 $0x6, s30;
	v5 =	vld.idx.msk [tilespmem:v15+s13+$0x0], $0xffff;
	v15 =	vmul.f32 $8.000000000e+00, v6;
	[tilespmem:s29+$0x180] =	vst v10  }
0x93: {  	v10 =	vor.u32 s1, v1;
	v4 =	vld.idx.msk [tilespmem:v13+s13+$0x0], $0xffff;
	[tilespmem:s29+$0xFFFFFE80] =	vst v9;
	v13 =	vmul.f32 $8.000000000e+00, v16  }
0x94: {  	s1 =	sadd.s32 $0x7, s0;
	v9 =	vor.u32 s30, v1;
	s30 =	smov.u32 s0;
	s0 =	sadd.s32 $0x8, s0;
	v6 =	vld.idx.msk [tilespmem:v14+s13+$0x0], $0xffff;
	[tilespmem:s29+$0xFFFFFF00] =	vst v15;
	v14 =	vmul.f32 $8.000000000e+00, v17  }
0x95: {  	_ =	sdelay $0x2  }
0x96: {  	[tilespmem:s29+$0xFFFFFF80] =	vst v13;
	v7 =	vmul.f32 $8.000000000e+00, v7  }
0x97: {  	s0 =	sadd.s32 $0x1, s30;
	v13 =	vor.u32 s1, v1;
	v12 =	vld.idx.msk [tilespmem:v12+s13+$0x0], $0xffff;
	v2 =	vmul.f32 $8.000000000e+00, v2;
	[tilespmem:s29+$0x0] =	vst v14  }
0x98: {  	s31 =	sadd.s32 $0x2, s30;
	v8 =	vld.idx.msk [tilespmem:v8+s13+$0x0], $0xffff;
	v14 =	vor.u32 s0, v1;
	v3 =	vmul.f32 $8.000000000e+00, v3;
	[tilespmem:s29+$0x80] =	vst v7  }
0x99: {  	s1 =	sadd.s32 $0x3, s30;
	v9 =	vld.idx.msk [tilespmem:v9+s13+$0x0], $0xffff;
	v7 =	vor.u32 s31, v1;
	v5 =	vmul.f32 $8.000000000e+00, v5;
	[tilespmem:s29+$0x100] =	vst v2  }
0x9a: {  	v11 =	vld.idx.msk [tilespmem:v11+s13+$0x0], $0xffff;
	s11 =	sadd.s32 $0x4, s30;
	v2 =	vor.u32 s1, v1;
	s1 =	sadd.s32 $0x400, s29;
	v4 =	vmul.f32 $8.000000000e+00, v4;
	[tilespmem:s29+$0xFFFFFE00] =	vst v3  }
0x9b: {  	v10 =	vld.idx.msk [tilespmem:v10+s13+$0x0], $0xffff;
	s31 =	sadd.s32 $0x5, s30;
	v3 =	vor.u32 s11, v1;
	v6 =	vmul.f32 $8.000000000e+00, v6;
	[tilespmem:s1+$0x180] =	vst v5  }
0x9c: {  	s11 =	sadd.s32 $0x6, s30;
	v5 =	vor.u32 s31, v1;
	v13 =	vld.idx.msk [tilespmem:v13+s13+$0x0], $0xffff;
	[tilespmem:s1+$0xFFFFFE80] =	vst v4;
	v4 =	vmul.f32 $8.000000000e+00, v12  }
0x9d: {  	v12 =	vld.idx.msk [tilespmem:v14+s13+$0x0], $0xffff;
	v14 =	vor.u32 s11, v1;
	[tilespmem:s1+$0xFFFFFF00] =	vst v6;
	v6 =	vmul.f32 $8.000000000e+00, v8  }
0x9e: {  	v1 =	vor.u32 s30, v1;
	v8 =	vmul.f32 $8.000000000e+00, v9;
	v7 =	vld.idx.msk [tilespmem:v7+s13+$0x0], $0xffff;
	[tilespmem:s1+$0xFFFFFF80] =	vst v4  }
0x9f: {  	v4 =	vmul.f32 $8.000000000e+00, v11;
	v2 =	vld.idx.msk [tilespmem:v2+s13+$0x0], $0xffff;
	[tilespmem:s1+$0x0] =	vst v6  }
0xa0: {  	v6 =	vmul.f32 $8.000000000e+00, v10;
	v3 =	vld.idx.msk [tilespmem:v3+s13+$0x0], $0xffff;
	[tilespmem:s1+$0xFFFFFE00] =	vst v8  }
0xa1: {  	[tilespmem:s1+$0x80] =	vst v4;
	v4 =	vld.idx.msk [tilespmem:v5+s13+$0x0], $0xffff;
	v5 =	vmul.f32 $8.000000000e+00, v13  }
0xa2: {  	s30 =	sadd.s32 $0x400, s1;
	[tilespmem:s1+$0x100] =	vst v6;
	v6 =	vld.idx.msk [tilespmem:v14+s13+$0x0], $0xffff;
	v9 =	vmul.f32 $8.000000000e+00, v12  }
0xa3: {  	v1 =	vld.idx.msk [tilespmem:v1+s13+$0x0], $0xffff;
	v7 =	vmul.f32 $8.000000000e+00, v7;
	[tilespmem:s30+$0x180] =	vst v5  }
0xa4: {  	v2 =	vmul.f32 $8.000000000e+00, v2;
	[tilespmem:s30+$0xFFFFFE80] =	vst v9  }
0xa5: {  	v3 =	vmul.f32 $8.000000000e+00, v3;
	[tilespmem:s30+$0xFFFFFF00] =	vst v7  }
0xa6: {  	[tilespmem:s30+$0xFFFFFF80] =	vst v2;
	v2 =	vmul.f32 $8.000000000e+00, v4  }
0xa7: {  	[tilespmem:s30+$0x0] =	vst v3;
	v3 =	vmul.f32 $8.000000000e+00, v6  }
0xa8: {  	v1 =	vmul.f32 $8.000000000e+00, v1;
	[tilespmem:s30+$0x80] =	vst v2  }
0xa9: {  	[tilespmem:s30+$0x100] =	vst v3  }
0xaa: {  	[tilespmem:s30+$0xFFFFFE00] =	vst v1  }
0xab: {  	v1 =	vld [tilespmem:s21+$0x20];
	_ =	sdelay $0x2  }
0xac: {  	s31 =	sor.u32 $0x20, s22  }
0xad: {  	v2 =	vmov s31  }
0xae: {  	v2 =	vshll.u32 v2, $0x7;
	v1 =	vshll.u32 v1, $0x6  }
0xaf: {  	v2 =	vor.u32 v0, v2;
	v1 =	vand.u32 $0x40, v1  }
0xb0: {  	s1 =	simm.s32 $0x7;
	v1 =	vor.u32 v2, v1  }
0xb1: {  	s11 =	simm.s32 $0x1;
	v2 =	vor.u32 s1, v1  }
0xb2: {  	s30 =	simm.s32 $0x2;
	v3 =	vor.u32 s11, v1  }
0xb3: {  	s31 =	simm.s32 $0x3;
	v4 =	vor.u32 s30, v1  }
0xb4: {  	v5 =	vor.u32 s31, v1;
	s1 =	simm.s32 $0x4  }
0xb5: {  	s11 =	simm.s32 $0x5;
	v6 =	vor.u32 s1, v1  }
0xb6: {  	v7 =	vor.u32 s11, v1;
	s11 =	simm.s32 $0xF;
	v8 =	vld.idx.msk [tilespmem:v2+s13+$0x0], $0xffff  }
0xb7: {  	s30 =	simm.s32 $0x6;
	v10 =	vor.u32 s11, v1;
	v9 =	vld.idx.msk [tilespmem:v3+s13+$0x0], $0xffff  }
0xb8: {  	s31 =	simm.s32 $0x0;
	v2 =	vor.u32 s30, v1;
	v4 =	vld.idx.msk [tilespmem:v4+s13+$0x0], $0xffff  }
0xb9: {  	v3 =	vor.u32 s31, v1;
	s30 =	simm.s32 $0x9;
	v13 =	vld.idx.msk [tilespmem:v5+s13+$0x0], $0xffff  }
0xba: {  	s31 =	simm.s32 $0xA;
	v14 =	vor.u32 s30, v1;
	v15 =	vld.idx.msk [tilespmem:v6+s13+$0x0], $0xffff  }
0xbb: {  	s1 =	simm.s32 $0xB;
	v6 =	vor.u32 s31, v1;
	v7 =	vld.idx.msk [tilespmem:v7+s13+$0x0], $0xffff  }
0xbc: {  	s11 =	simm.s32 $0xC;
	v12 =	vor.u32 s1, v1;
	v5 =	vld.idx.msk [tilespmem:v10+s13+$0x0], $0xffff;
	v11 =	vmul.f32 $8.000000000e+00, v8  }
0xbd: {  	s30 =	simm.s32 $0xD;
	v2 =	vld.idx.msk [tilespmem:v2+s13+$0x0], $0xffff;
	v9 =	vmul.f32 $8.000000000e+00, v9;
	v8 =	vor.u32 s11, v1  }
0xbe: {  	s31 =	simm.s32 $0xE;
	v3 =	vld.idx.msk [tilespmem:v3+s13+$0x0], $0xffff;
	v16 =	vmul.f32 $8.000000000e+00, v4;
	[tilespmem:s28+$0x180] =	vst v11;
	v11 =	vor.u32 s30, v1  }
0xbf: {  	v10 =	vor.u32 s31, v1;
	s11 =	simm.s32 $0x8;
	v13 =	vmul.f32 $8.000000000e+00, v13;
	v4 =	vld.idx.msk [tilespmem:v14+s13+$0x0], $0xffff;
	[tilespmem:s28+$0xFFFFFE80] =	vst v9  }
0xc0: {  	s0 =	simm.s32 $0x18;
	s29 =	simm.s32 $0x10;
	s1 =	simm.s32 $0x17;
	v6 =	vld.idx.msk [tilespmem:v6+s13+$0x0], $0xffff;
	v14 =	vmul.f32 $8.000000000e+00, v15;
	v9 =	vor.u32 s11, v1;
	[tilespmem:s28+$0xFFFFFF00] =	vst v16  }
.LBB2_7:
0xc1: {  	p1 =	slt.u32 s0, $0x38;
	s11 =	sadd.s32 $0x1, s29;
	v15 =	vor.u32 s1, v1;
	v16 =	vld.idx.msk [tilespmem:v12+s13+$0x0], $0xffff;
	[tilespmem:s28+$0xFFFFFF80] =	vst v13;
	v12 =	vmul.f32 $8.000000000e+00, v7  }
0xc2: {  	s1 =	sadd.s32 $0x2, s29;
	v13 =	vor.u32 s11, v1;
	v17 =	vld.idx.msk [tilespmem:v8+s13+$0x0], $0xffff;
	[tilespmem:s28+$0x0] =	vst v14;
	v8 =	vmul.f32 $8.000000000e+00, v2  }
0xc3: {  	v14 =	vor.u32 s1, v1;
	s1 =	sadd.s32 $0x3, s29;
	v7 =	vld.idx.msk [tilespmem:v11+s13+$0x0], $0xffff;
	v11 =	vmul.f32 $8.000000000e+00, v3;
	[tilespmem:s28+$0x80] =	vst v12  }
.Ltmp2:
0xc4: {  	v12 =	vor.u32 s1, v1;
	s1 =	sadd.s32 $0x4, s29;
	v2 =	vld.idx.msk [tilespmem:v10+s13+$0x0], $0xffff;
	v10 =	vmul.f32 $8.000000000e+00, v5;
	[tilespmem:s28+$0x100] =	vst v8;
	(pc) =	sbr.rel @p1 .LBB2_7-.Ltmp2, $4  }
0xc5: {  	v8 =	vor.u32 s1, v1;
	s1 =	sadd.s32 $0x5, s29;
	v3 =	vld.idx.msk [tilespmem:v9+s13+$0x0], $0xffff;
	v9 =	vmul.f32 $8.000000000e+00, v4;
	[tilespmem:s28+$0xFFFFFE00] =	vst v11;
	s28 =	sadd.s32 $0x400, s28  }
0xc6: {  	v11 =	vor.u32 s1, v1;
	s1 =	sadd.s32 $0x6, s29;
	v5 =	vld.idx.msk [tilespmem:v15+s13+$0x0], $0xffff;
	v15 =	vmul.f32 $8.000000000e+00, v6;
	[tilespmem:s28+$0x180] =	vst v10  }
0xc7: {  	v10 =	vor.u32 s1, v1;
	v4 =	vld.idx.msk [tilespmem:v13+s13+$0x0], $0xffff;
	[tilespmem:s28+$0xFFFFFE80] =	vst v9;
	v13 =	vmul.f32 $8.000000000e+00, v16  }
0xc8: {  	s1 =	sadd.s32 $0x7, s0;
	v9 =	vor.u32 s29, v1;
	s29 =	smov.u32 s0;
	s0 =	sadd.s32 $0x8, s0;
	v6 =	vld.idx.msk [tilespmem:v14+s13+$0x0], $0xffff;
	[tilespmem:s28+$0xFFFFFF00] =	vst v15;
	v14 =	vmul.f32 $8.000000000e+00, v17  }
0xc9: {  	_ =	sdelay $0x2  }
0xca: {  	[tilespmem:s28+$0xFFFFFF80] =	vst v13;
	v7 =	vmul.f32 $8.000000000e+00, v7  }
0xcb: {  	s0 =	sadd.s32 $0x1, s29;
	v13 =	vor.u32 s1, v1;
	v12 =	vld.idx.msk [tilespmem:v12+s13+$0x0], $0xffff;
	v2 =	vmul.f32 $8.000000000e+00, v2;
	[tilespmem:s28+$0x0] =	vst v14  }
0xcc: {  	s31 =	sadd.s32 $0x2, s29;
	v8 =	vld.idx.msk [tilespmem:v8+s13+$0x0], $0xffff;
	v14 =	vor.u32 s0, v1;
	v3 =	vmul.f32 $8.000000000e+00, v3;
	[tilespmem:s28+$0x80] =	vst v7  }
0xcd: {  	s1 =	sadd.s32 $0x3, s29;
	v9 =	vld.idx.msk [tilespmem:v9+s13+$0x0], $0xffff;
	v7 =	vor.u32 s31, v1;
	v5 =	vmul.f32 $8.000000000e+00, v5;
	[tilespmem:s28+$0x100] =	vst v2  }
0xce: {  	v11 =	vld.idx.msk [tilespmem:v11+s13+$0x0], $0xffff;
	s11 =	sadd.s32 $0x4, s29;
	s30 =	sadd.s32 $0x400, s28;
	v2 =	vor.u32 s1, v1;
	v4 =	vmul.f32 $8.000000000e+00, v4;
	[tilespmem:s28+$0xFFFFFE00] =	vst v3  }
0xcf: {  	v10 =	vld.idx.msk [tilespmem:v10+s13+$0x0], $0xffff;
	s31 =	sadd.s32 $0x5, s29;
	v3 =	vor.u32 s11, v1;
	v6 =	vmul.f32 $8.000000000e+00, v6;
	[tilespmem:s30+$0x180] =	vst v5  }
0xd0: {  	s11 =	sadd.s32 $0x6, s29;
	v5 =	vor.u32 s31, v1;
	v13 =	vld.idx.msk [tilespmem:v13+s13+$0x0], $0xffff;
	[tilespmem:s30+$0xFFFFFE80] =	vst v4;
	v4 =	vmul.f32 $8.000000000e+00, v12  }
0xd1: {  	v12 =	vld.idx.msk [tilespmem:v14+s13+$0x0], $0xffff;
	v14 =	vor.u32 s11, v1;
	[tilespmem:s30+$0xFFFFFF00] =	vst v6;
	v6 =	vmul.f32 $8.000000000e+00, v8  }
0xd2: {  	v1 =	vor.u32 s29, v1;
	v8 =	vmul.f32 $8.000000000e+00, v9;
	v7 =	vld.idx.msk [tilespmem:v7+s13+$0x0], $0xffff;
	[tilespmem:s30+$0xFFFFFF80] =	vst v4  }
0xd3: {  	v4 =	vmul.f32 $8.000000000e+00, v11;
	v2 =	vld.idx.msk [tilespmem:v2+s13+$0x0], $0xffff;
	[tilespmem:s30+$0x0] =	vst v6  }
0xd4: {  	v6 =	vmul.f32 $8.000000000e+00, v10;
	v3 =	vld.idx.msk [tilespmem:v3+s13+$0x0], $0xffff;
	[tilespmem:s30+$0xFFFFFE00] =	vst v8  }
0xd5: {  	[tilespmem:s30+$0x80] =	vst v4;
	v4 =	vld.idx.msk [tilespmem:v5+s13+$0x0], $0xffff;
	v5 =	vmul.f32 $8.000000000e+00, v13  }
0xd6: {  	[tilespmem:s30+$0x100] =	vst v6;
	s30 =	sadd.s32 $0x400, s30;
	v6 =	vld.idx.msk [tilespmem:v14+s13+$0x0], $0xffff;
	v9 =	vmul.f32 $8.000000000e+00, v12  }
0xd7: {  	v1 =	vld.idx.msk [tilespmem:v1+s13+$0x0], $0xffff;
	v7 =	vmul.f32 $8.000000000e+00, v7;
	[tilespmem:s30+$0x180] =	vst v5  }
0xd8: {  	v2 =	vmul.f32 $8.000000000e+00, v2;
	[tilespmem:s30+$0xFFFFFE80] =	vst v9  }
0xd9: {  	v3 =	vmul.f32 $8.000000000e+00, v3;
	[tilespmem:s30+$0xFFFFFF00] =	vst v7  }
0xda: {  	[tilespmem:s30+$0xFFFFFF80] =	vst v2;
	v2 =	vmul.f32 $8.000000000e+00, v4  }
0xdb: {  	[tilespmem:s30+$0x0] =	vst v3;
	v3 =	vmul.f32 $8.000000000e+00, v6  }
0xdc: {  	v1 =	vmul.f32 $8.000000000e+00, v1;
	[tilespmem:s30+$0x80] =	vst v2  }
0xdd: {  	[tilespmem:s30+$0x100] =	vst v3  }
0xde: {  	[tilespmem:s30+$0xFFFFFE00] =	vst v1  }
0xdf: {  	v1 =	vld [tilespmem:s21+$0x30];
	_ =	sdelay $0x2  }
0xe0: {  	s31 =	sor.u32 $0x30, s22  }
0xe1: {  	v2 =	vmov s31  }
0xe2: {  	v2 =	vshll.u32 v2, $0x7;
	v1 =	vshll.u32 v1, $0x6  }
0xe3: {  	v2 =	vor.u32 v0, v2;
	v1 =	vand.u32 $0x40, v1  }
0xe4: {  	s1 =	simm.s32 $0x7;
	v1 =	vor.u32 v2, v1  }
0xe5: {  	s11 =	simm.s32 $0x1;
	v2 =	vor.u32 s1, v1  }
0xe6: {  	s29 =	simm.s32 $0x2;
	v3 =	vor.u32 s11, v1  }
0xe7: {  	s30 =	simm.s32 $0x3;
	v4 =	vor.u32 s29, v1  }
0xe8: {  	s31 =	simm.s32 $0x4;
	v5 =	vor.u32 s30, v1  }
0xe9: {  	v6 =	vor.u32 s31, v1;
	s1 =	simm.s32 $0x5  }
0xea: {  	s30 =	simm.s32 $0xF;
	v7 =	vor.u32 s1, v1;
	v8 =	vld.idx.msk [tilespmem:v2+s13+$0x0], $0xffff  }
0xeb: {  	s11 =	simm.s32 $0x6;
	v10 =	vor.u32 s30, v1;
	v9 =	vld.idx.msk [tilespmem:v3+s13+$0x0], $0xffff  }
0xec: {  	s29 =	simm.s32 $0x0;
	v2 =	vor.u32 s11, v1;
	v4 =	vld.idx.msk [tilespmem:v4+s13+$0x0], $0xffff  }
0xed: {  	s31 =	simm.s32 $0x9;
	v3 =	vor.u32 s29, v1;
	v13 =	vld.idx.msk [tilespmem:v5+s13+$0x0], $0xffff  }
0xee: {  	v14 =	vor.u32 s31, v1;
	s1 =	simm.s32 $0xA;
	v15 =	vld.idx.msk [tilespmem:v6+s13+$0x0], $0xffff  }
0xef: {  	v6 =	vor.u32 s1, v1;
	s11 =	simm.s32 $0xB;
	v7 =	vld.idx.msk [tilespmem:v7+s13+$0x0], $0xffff  }
0xf0: {  	s29 =	simm.s32 $0xC;
	v12 =	vor.u32 s11, v1;
	v5 =	vld.idx.msk [tilespmem:v10+s13+$0x0], $0xffff;
	v11 =	vmul.f32 $8.000000000e+00, v8  }
0xf1: {  	s30 =	simm.s32 $0xD;
	v2 =	vld.idx.msk [tilespmem:v2+s13+$0x0], $0xffff;
	v9 =	vmul.f32 $8.000000000e+00, v9;
	v8 =	vor.u32 s29, v1  }
0xf2: {  	s31 =	simm.s32 $0xE;
	v3 =	vld.idx.msk [tilespmem:v3+s13+$0x0], $0xffff;
	v16 =	vmul.f32 $8.000000000e+00, v4;
	[tilespmem:s26+$0x180] =	vst v11;
	v11 =	vor.u32 s30, v1  }
0xf3: {  	s11 =	simm.s32 $0x8;
	v10 =	vor.u32 s31, v1;
	v4 =	vld.idx.msk [tilespmem:v14+s13+$0x0], $0xffff;
	v13 =	vmul.f32 $8.000000000e+00, v13;
	[tilespmem:s26+$0xFFFFFE80] =	vst v9  }
0xf4: {  	s0 =	simm.s32 $0x18;
	s28 =	simm.s32 $0x10;
	s1 =	simm.s32 $0x17;
	v6 =	vld.idx.msk [tilespmem:v6+s13+$0x0], $0xffff;
	v14 =	vmul.f32 $8.000000000e+00, v15;
	v9 =	vor.u32 s11, v1;
	[tilespmem:s26+$0xFFFFFF00] =	vst v16  }
.LBB2_9:
0xf5: {  	p1 =	slt.u32 s0, $0x38;
	s11 =	sadd.s32 $0x1, s28;
	v15 =	vor.u32 s1, v1;
	v16 =	vld.idx.msk [tilespmem:v12+s13+$0x0], $0xffff;
	[tilespmem:s26+$0xFFFFFF80] =	vst v13;
	v12 =	vmul.f32 $8.000000000e+00, v7  }
0xf6: {  	s1 =	sadd.s32 $0x2, s28;
	v13 =	vor.u32 s11, v1;
	v17 =	vld.idx.msk [tilespmem:v8+s13+$0x0], $0xffff;
	[tilespmem:s26+$0x0] =	vst v14;
	v8 =	vmul.f32 $8.000000000e+00, v2  }
0xf7: {  	v14 =	vor.u32 s1, v1;
	s1 =	sadd.s32 $0x3, s28;
	v7 =	vld.idx.msk [tilespmem:v11+s13+$0x0], $0xffff;
	v11 =	vmul.f32 $8.000000000e+00, v3;
	[tilespmem:s26+$0x80] =	vst v12  }
.Ltmp3:
0xf8: {  	v12 =	vor.u32 s1, v1;
	s1 =	sadd.s32 $0x4, s28;
	v2 =	vld.idx.msk [tilespmem:v10+s13+$0x0], $0xffff;
	v10 =	vmul.f32 $8.000000000e+00, v5;
	[tilespmem:s26+$0x100] =	vst v8;
	(pc) =	sbr.rel @p1 .LBB2_9-.Ltmp3, $4  }
0xf9: {  	v8 =	vor.u32 s1, v1;
	s1 =	sadd.s32 $0x5, s28;
	v3 =	vld.idx.msk [tilespmem:v9+s13+$0x0], $0xffff;
	v9 =	vmul.f32 $8.000000000e+00, v4;
	[tilespmem:s26+$0xFFFFFE00] =	vst v11;
	s26 =	sadd.s32 $0x400, s26  }
0xfa: {  	v11 =	vor.u32 s1, v1;
	s1 =	sadd.s32 $0x6, s28;
	v5 =	vld.idx.msk [tilespmem:v15+s13+$0x0], $0xffff;
	v15 =	vmul.f32 $8.000000000e+00, v6;
	[tilespmem:s26+$0x180] =	vst v10  }
0xfb: {  	v10 =	vor.u32 s1, v1;
	v4 =	vld.idx.msk [tilespmem:v13+s13+$0x0], $0xffff;
	[tilespmem:s26+$0xFFFFFE80] =	vst v9;
	v13 =	vmul.f32 $8.000000000e+00, v16  }
0xfc: {  	s1 =	sadd.s32 $0x7, s0;
	v9 =	vor.u32 s28, v1;
	s28 =	smov.u32 s0;
	s0 =	sadd.s32 $0x8, s0;
	v6 =	vld.idx.msk [tilespmem:v14+s13+$0x0], $0xffff;
	[tilespmem:s26+$0xFFFFFF00] =	vst v15;
	v14 =	vmul.f32 $8.000000000e+00, v17  }
0xfd: {  	_ =	sdelay $0x2  }
0xfe: {  	[tilespmem:s26+$0xFFFFFF80] =	vst v13;
	v7 =	vmul.f32 $8.000000000e+00, v7  }
0xff: {  	s0 =	sadd.s32 $0x1, s28;
	v13 =	vor.u32 s1, v1;
	v12 =	vld.idx.msk [tilespmem:v12+s13+$0x0], $0xffff;
	v2 =	vmul.f32 $8.000000000e+00, v2;
	[tilespmem:s26+$0x0] =	vst v14  }
0x100: {  	s11 =	sadd.s32 $0x2, s28;
	v8 =	vld.idx.msk [tilespmem:v8+s13+$0x0], $0xffff;
	v14 =	vor.u32 s0, v1;
	v3 =	vmul.f32 $8.000000000e+00, v3;
	[tilespmem:s26+$0x80] =	vst v7  }
0x101: {  	s29 =	sadd.s32 $0x3, s28;
	v9 =	vld.idx.msk [tilespmem:v9+s13+$0x0], $0xffff;
	v7 =	vor.u32 s11, v1;
	v5 =	vmul.f32 $8.000000000e+00, v5;
	[tilespmem:s26+$0x100] =	vst v2  }
0x102: {  	v11 =	vld.idx.msk [tilespmem:v11+s13+$0x0], $0xffff;
	s30 =	sadd.s32 $0x4, s28;
	s31 =	sadd.s32 $0x400, s26;
	v2 =	vor.u32 s29, v1;
	v4 =	vmul.f32 $8.000000000e+00, v4;
	[tilespmem:s26+$0xFFFFFE00] =	vst v3  }
0x103: {  	v10 =	vld.idx.msk [tilespmem:v10+s13+$0x0], $0xffff;
	s11 =	sadd.s32 $0x5, s28;
	v3 =	vor.u32 s30, v1;
	v6 =	vmul.f32 $8.000000000e+00, v6;
	[tilespmem:s31+$0x180] =	vst v5  }
0x104: {  	s26 =	sadd.s32 $0x6, s28;
	v5 =	vor.u32 s11, v1;
	v13 =	vld.idx.msk [tilespmem:v13+s13+$0x0], $0xffff;
	[tilespmem:s31+$0xFFFFFE80] =	vst v4;
	v4 =	vmul.f32 $8.000000000e+00, v12  }
0x105: {  	v12 =	vld.idx.msk [tilespmem:v14+s13+$0x0], $0xffff;
	v14 =	vor.u32 s26, v1;
	[tilespmem:s31+$0xFFFFFF00] =	vst v6;
	v6 =	vmul.f32 $8.000000000e+00, v8  }
0x106: {  	v1 =	vor.u32 s28, v1;
	v8 =	vmul.f32 $8.000000000e+00, v9;
	v7 =	vld.idx.msk [tilespmem:v7+s13+$0x0], $0xffff;
	[tilespmem:s31+$0xFFFFFF80] =	vst v4  }
0x107: {  	v4 =	vmul.f32 $8.000000000e+00, v11;
	v2 =	vld.idx.msk [tilespmem:v2+s13+$0x0], $0xffff;
	[tilespmem:s31+$0x0] =	vst v6  }
0x108: {  	v6 =	vmul.f32 $8.000000000e+00, v10;
	v3 =	vld.idx.msk [tilespmem:v3+s13+$0x0], $0xffff;
	[tilespmem:s31+$0xFFFFFE00] =	vst v8  }
0x109: {  	[tilespmem:s31+$0x80] =	vst v4;
	v4 =	vld.idx.msk [tilespmem:v5+s13+$0x0], $0xffff;
	v5 =	vmul.f32 $8.000000000e+00, v13  }
0x10a: {  	s28 =	sadd.s32 $0x400, s31;
	[tilespmem:s31+$0x100] =	vst v6;
	v6 =	vld.idx.msk [tilespmem:v14+s13+$0x0], $0xffff;
	v9 =	vmul.f32 $8.000000000e+00, v12  }
0x10b: {  	v1 =	vld.idx.msk [tilespmem:v1+s13+$0x0], $0xffff;
	v7 =	vmul.f32 $8.000000000e+00, v7;
	[tilespmem:s28+$0x180] =	vst v5  }
0x10c: {  	v2 =	vmul.f32 $8.000000000e+00, v2;
	[tilespmem:s28+$0xFFFFFE80] =	vst v9  }
0x10d: {  	v3 =	vmul.f32 $8.000000000e+00, v3;
	[tilespmem:s28+$0xFFFFFF00] =	vst v7  }
0x10e: {  	[tilespmem:s28+$0xFFFFFF80] =	vst v2;
	v2 =	vmul.f32 $8.000000000e+00, v4  }
0x10f: {  	[tilespmem:s28+$0x0] =	vst v3;
	v3 =	vmul.f32 $8.000000000e+00, v6  }
0x110: {  	v1 =	vmul.f32 $8.000000000e+00, v1;
	[tilespmem:s28+$0x80] =	vst v2  }
0x111: {  	[tilespmem:s28+$0x100] =	vst v3  }
0x112: {  	[tilespmem:s28+$0xFFFFFE00] =	vst v1  }
0x113: {  	v1 =	vld [tilespmem:s21+$0x40];
	_ =	sdelay $0x2  }
0x114: {  	s29 =	sor.u32 $0x40, s22  }
0x115: {  	v2 =	vmov s29  }
0x116: {  	v2 =	vshll.u32 v2, $0x7;
	v1 =	vshll.u32 v1, $0x6  }
0x117: {  	v2 =	vor.u32 v0, v2;
	v1 =	vand.u32 $0x40, v1  }
0x118: {  	s30 =	simm.s32 $0x7;
	v1 =	vor.u32 v2, v1  }
0x119: {  	s31 =	simm.s32 $0x1;
	v2 =	vor.u32 s30, v1  }
0x11a: {  	s1 =	simm.s32 $0x2;
	v3 =	vor.u32 s31, v1  }
0x11b: {  	s11 =	simm.s32 $0x3;
	v4 =	vor.u32 s1, v1  }
0x11c: {  	s26 =	simm.s32 $0x4;
	v5 =	vor.u32 s11, v1  }
0x11d: {  	s28 =	simm.s32 $0x5;
	v6 =	vor.u32 s26, v1  }
0x11e: {  	v7 =	vor.u32 s28, v1;
	s31 =	simm.s32 $0xF;
	v8 =	vld.idx.msk [tilespmem:v2+s13+$0x0], $0xffff  }
0x11f: {  	s29 =	simm.s32 $0x6;
	v10 =	vor.u32 s31, v1;
	v9 =	vld.idx.msk [tilespmem:v3+s13+$0x0], $0xffff  }
0x120: {  	s30 =	simm.s32 $0x0;
	v2 =	vor.u32 s29, v1;
	v4 =	vld.idx.msk [tilespmem:v4+s13+$0x0], $0xffff  }
0x121: {  	s11 =	simm.s32 $0x9;
	v3 =	vor.u32 s30, v1;
	v13 =	vld.idx.msk [tilespmem:v5+s13+$0x0], $0xffff  }
0x122: {  	s26 =	simm.s32 $0xA;
	v14 =	vor.u32 s11, v1;
	v15 =	vld.idx.msk [tilespmem:v6+s13+$0x0], $0xffff  }
0x123: {  	s28 =	simm.s32 $0xB;
	v6 =	vor.u32 s26, v1;
	v7 =	vld.idx.msk [tilespmem:v7+s13+$0x0], $0xffff  }
0x124: {  	v12 =	vor.u32 s28, v1;
	s29 =	simm.s32 $0xC;
	v5 =	vld.idx.msk [tilespmem:v10+s13+$0x0], $0xffff;
	v11 =	vmul.f32 $8.000000000e+00, v8  }
0x125: {  	s30 =	simm.s32 $0xD;
	v2 =	vld.idx.msk [tilespmem:v2+s13+$0x0], $0xffff;
	v9 =	vmul.f32 $8.000000000e+00, v9;
	v8 =	vor.u32 s29, v1  }
0x126: {  	s31 =	simm.s32 $0xE;
	v3 =	vld.idx.msk [tilespmem:v3+s13+$0x0], $0xffff;
	v16 =	vmul.f32 $8.000000000e+00, v4;
	[tilespmem:s25+$0x180] =	vst v11;
	v11 =	vor.u32 s30, v1  }
0x127: {  	s11 =	simm.s32 $0x8;
	v10 =	vor.u32 s31, v1;
	v4 =	vld.idx.msk [tilespmem:v14+s13+$0x0], $0xffff;
	v13 =	vmul.f32 $8.000000000e+00, v13;
	[tilespmem:s25+$0xFFFFFE80] =	vst v9  }
0x128: {  	s0 =	simm.s32 $0x18;
	s1 =	simm.s32 $0x17;
	s26 =	simm.s32 $0x10;
	v6 =	vld.idx.msk [tilespmem:v6+s13+$0x0], $0xffff;
	v14 =	vmul.f32 $8.000000000e+00, v15;
	v9 =	vor.u32 s11, v1;
	[tilespmem:s25+$0xFFFFFF00] =	vst v16  }
.LBB2_11:
0x129: {  	p1 =	slt.u32 s0, $0x38;
	s11 =	sadd.s32 $0x1, s26;
	v15 =	vor.u32 s1, v1;
	v16 =	vld.idx.msk [tilespmem:v12+s13+$0x0], $0xffff;
	[tilespmem:s25+$0xFFFFFF80] =	vst v13;
	v12 =	vmul.f32 $8.000000000e+00, v7  }
0x12a: {  	s1 =	sadd.s32 $0x2, s26;
	v13 =	vor.u32 s11, v1;
	v17 =	vld.idx.msk [tilespmem:v8+s13+$0x0], $0xffff;
	[tilespmem:s25+$0x0] =	vst v14;
	v8 =	vmul.f32 $8.000000000e+00, v2  }
0x12b: {  	v14 =	vor.u32 s1, v1;
	s1 =	sadd.s32 $0x3, s26;
	v7 =	vld.idx.msk [tilespmem:v11+s13+$0x0], $0xffff;
	v11 =	vmul.f32 $8.000000000e+00, v3;
	[tilespmem:s25+$0x80] =	vst v12  }
.Ltmp4:
0x12c: {  	v12 =	vor.u32 s1, v1;
	s1 =	sadd.s32 $0x4, s26;
	v2 =	vld.idx.msk [tilespmem:v10+s13+$0x0], $0xffff;
	v10 =	vmul.f32 $8.000000000e+00, v5;
	[tilespmem:s25+$0x100] =	vst v8;
	(pc) =	sbr.rel @p1 .LBB2_11-.Ltmp4, $4  }
0x12d: {  	v8 =	vor.u32 s1, v1;
	s1 =	sadd.s32 $0x5, s26;
	v3 =	vld.idx.msk [tilespmem:v9+s13+$0x0], $0xffff;
	v9 =	vmul.f32 $8.000000000e+00, v4;
	[tilespmem:s25+$0xFFFFFE00] =	vst v11;
	s25 =	sadd.s32 $0x400, s25  }
0x12e: {  	v11 =	vor.u32 s1, v1;
	s1 =	sadd.s32 $0x6, s26;
	v5 =	vld.idx.msk [tilespmem:v15+s13+$0x0], $0xffff;
	v15 =	vmul.f32 $8.000000000e+00, v6;
	[tilespmem:s25+$0x180] =	vst v10  }
0x12f: {  	v10 =	vor.u32 s1, v1;
	v4 =	vld.idx.msk [tilespmem:v13+s13+$0x0], $0xffff;
	[tilespmem:s25+$0xFFFFFE80] =	vst v9;
	v13 =	vmul.f32 $8.000000000e+00, v16  }
0x130: {  	s1 =	sadd.s32 $0x7, s0;
	v9 =	vor.u32 s26, v1;
	s26 =	smov.u32 s0;
	s0 =	sadd.s32 $0x8, s0;
	v6 =	vld.idx.msk [tilespmem:v14+s13+$0x0], $0xffff;
	[tilespmem:s25+$0xFFFFFF00] =	vst v15;
	v14 =	vmul.f32 $8.000000000e+00, v17  }
0x131: {  	_ =	sdelay $0x2  }
0x132: {  	[tilespmem:s25+$0xFFFFFF80] =	vst v13;
	v7 =	vmul.f32 $8.000000000e+00, v7  }
0x133: {  	s0 =	sadd.s32 $0x1, s26;
	v13 =	vor.u32 s1, v1;
	v12 =	vld.idx.msk [tilespmem:v12+s13+$0x0], $0xffff;
	v2 =	vmul.f32 $8.000000000e+00, v2;
	[tilespmem:s25+$0x0] =	vst v14  }
0x134: {  	s31 =	sadd.s32 $0x2, s26;
	v8 =	vld.idx.msk [tilespmem:v8+s13+$0x0], $0xffff;
	v14 =	vor.u32 s0, v1;
	v3 =	vmul.f32 $8.000000000e+00, v3;
	[tilespmem:s25+$0x80] =	vst v7  }
0x135: {  	s1 =	sadd.s32 $0x3, s26;
	v9 =	vld.idx.msk [tilespmem:v9+s13+$0x0], $0xffff;
	v7 =	vor.u32 s31, v1;
	v5 =	vmul.f32 $8.000000000e+00, v5;
	[tilespmem:s25+$0x100] =	vst v2  }
0x136: {  	v11 =	vld.idx.msk [tilespmem:v11+s13+$0x0], $0xffff;
	s11 =	sadd.s32 $0x4, s26;
	v2 =	vor.u32 s1, v1;
	v4 =	vmul.f32 $8.000000000e+00, v4;
	[tilespmem:s25+$0xFFFFFE00] =	vst v3;
	s25 =	sadd.s32 $0x400, s25  }
0x137: {  	v10 =	vld.idx.msk [tilespmem:v10+s13+$0x0], $0xffff;
	s28 =	sadd.s32 $0x5, s26;
	v3 =	vor.u32 s11, v1;
	v6 =	vmul.f32 $8.000000000e+00, v6;
	[tilespmem:s25+$0x180] =	vst v5  }
0x138: {  	s29 =	sadd.s32 $0x6, s26;
	v5 =	vor.u32 s28, v1;
	v13 =	vld.idx.msk [tilespmem:v13+s13+$0x0], $0xffff;
	[tilespmem:s25+$0xFFFFFE80] =	vst v4;
	v4 =	vmul.f32 $8.000000000e+00, v12  }
0x139: {  	v12 =	vld.idx.msk [tilespmem:v14+s13+$0x0], $0xffff;
	v14 =	vor.u32 s29, v1;
	[tilespmem:s25+$0xFFFFFF00] =	vst v6;
	v6 =	vmul.f32 $8.000000000e+00, v8  }
0x13a: {  	v1 =	vor.u32 s26, v1;
	v8 =	vmul.f32 $8.000000000e+00, v9;
	v7 =	vld.idx.msk [tilespmem:v7+s13+$0x0], $0xffff;
	[tilespmem:s25+$0xFFFFFF80] =	vst v4  }
0x13b: {  	v4 =	vmul.f32 $8.000000000e+00, v11;
	v2 =	vld.idx.msk [tilespmem:v2+s13+$0x0], $0xffff;
	[tilespmem:s25+$0x0] =	vst v6  }
0x13c: {  	v6 =	vmul.f32 $8.000000000e+00, v10;
	v3 =	vld.idx.msk [tilespmem:v3+s13+$0x0], $0xffff;
	[tilespmem:s25+$0xFFFFFE00] =	vst v8  }
0x13d: {  	[tilespmem:s25+$0x80] =	vst v4;
	v4 =	vld.idx.msk [tilespmem:v5+s13+$0x0], $0xffff;
	v5 =	vmul.f32 $8.000000000e+00, v13  }
0x13e: {  	s30 =	sadd.s32 $0x400, s25;
	[tilespmem:s25+$0x100] =	vst v6;
	v6 =	vld.idx.msk [tilespmem:v14+s13+$0x0], $0xffff;
	v9 =	vmul.f32 $8.000000000e+00, v12  }
0x13f: {  	v1 =	vld.idx.msk [tilespmem:v1+s13+$0x0], $0xffff;
	v7 =	vmul.f32 $8.000000000e+00, v7;
	[tilespmem:s30+$0x180] =	vst v5  }
0x140: {  	v2 =	vmul.f32 $8.000000000e+00, v2;
	[tilespmem:s30+$0xFFFFFE80] =	vst v9  }
0x141: {  	v3 =	vmul.f32 $8.000000000e+00, v3;
	[tilespmem:s30+$0xFFFFFF00] =	vst v7  }
0x142: {  	[tilespmem:s30+$0xFFFFFF80] =	vst v2;
	v2 =	vmul.f32 $8.000000000e+00, v4  }
0x143: {  	[tilespmem:s30+$0x0] =	vst v3;
	v3 =	vmul.f32 $8.000000000e+00, v6  }
0x144: {  	v1 =	vmul.f32 $8.000000000e+00, v1;
	[tilespmem:s30+$0x80] =	vst v2  }
0x145: {  	[tilespmem:s30+$0x100] =	vst v3  }
0x146: {  	[tilespmem:s30+$0xFFFFFE00] =	vst v1  }
0x147: {  	v1 =	vld [tilespmem:s21+$0x50];
	_ =	sdelay $0x2  }
0x148: {  	s31 =	sor.u32 $0x50, s22  }
0x149: {  	v2 =	vmov s31  }
0x14a: {  	v2 =	vshll.u32 v2, $0x7;
	v1 =	vshll.u32 v1, $0x6  }
0x14b: {  	v2 =	vor.u32 v0, v2;
	v1 =	vand.u32 $0x40, v1  }
0x14c: {  	s1 =	simm.s32 $0x7;
	v1 =	vor.u32 v2, v1  }
0x14d: {  	s11 =	simm.s32 $0x1;
	v2 =	vor.u32 s1, v1  }
0x14e: {  	s25 =	simm.s32 $0x2;
	v3 =	vor.u32 s11, v1  }
0x14f: {  	s26 =	simm.s32 $0x3;
	v4 =	vor.u32 s25, v1  }
0x150: {  	s28 =	simm.s32 $0x4;
	v5 =	vor.u32 s26, v1  }
0x151: {  	s29 =	simm.s32 $0x5;
	v6 =	vor.u32 s28, v1  }
0x152: {  	v7 =	vor.u32 s29, v1;
	s11 =	simm.s32 $0xF;
	v8 =	vld.idx.msk [tilespmem:v2+s13+$0x0], $0xffff  }
0x153: {  	s30 =	simm.s32 $0x6;
	v10 =	vor.u32 s11, v1;
	v9 =	vld.idx.msk [tilespmem:v3+s13+$0x0], $0xffff  }
0x154: {  	s31 =	simm.s32 $0x0;
	v2 =	vor.u32 s30, v1;
	v4 =	vld.idx.msk [tilespmem:v4+s13+$0x0], $0xffff  }
0x155: {  	s25 =	simm.s32 $0x9;
	v3 =	vor.u32 s31, v1;
	v13 =	vld.idx.msk [tilespmem:v5+s13+$0x0], $0xffff  }
0x156: {  	s26 =	simm.s32 $0xA;
	v14 =	vor.u32 s25, v1;
	v15 =	vld.idx.msk [tilespmem:v6+s13+$0x0], $0xffff  }
0x157: {  	s28 =	simm.s32 $0xB;
	v6 =	vor.u32 s26, v1;
	v7 =	vld.idx.msk [tilespmem:v7+s13+$0x0], $0xffff  }
0x158: {  	s29 =	simm.s32 $0xC;
	v12 =	vor.u32 s28, v1;
	v5 =	vld.idx.msk [tilespmem:v10+s13+$0x0], $0xffff;
	v11 =	vmul.f32 $8.000000000e+00, v8  }
0x159: {  	s30 =	simm.s32 $0xD;
	v2 =	vld.idx.msk [tilespmem:v2+s13+$0x0], $0xffff;
	v9 =	vmul.f32 $8.000000000e+00, v9;
	v8 =	vor.u32 s29, v1  }
0x15a: {  	s31 =	simm.s32 $0xE;
	v3 =	vld.idx.msk [tilespmem:v3+s13+$0x0], $0xffff;
	v16 =	vmul.f32 $8.000000000e+00, v4;
	[tilespmem:s24+$0x180] =	vst v11;
	v11 =	vor.u32 s30, v1  }
0x15b: {  	s11 =	simm.s32 $0x8;
	v10 =	vor.u32 s31, v1;
	v4 =	vld.idx.msk [tilespmem:v14+s13+$0x0], $0xffff;
	v13 =	vmul.f32 $8.000000000e+00, v13;
	[tilespmem:s24+$0xFFFFFE80] =	vst v9  }
0x15c: {  	s0 =	simm.s32 $0x18;
	s1 =	simm.s32 $0x17;
	s25 =	simm.s32 $0x10;
	v6 =	vld.idx.msk [tilespmem:v6+s13+$0x0], $0xffff;
	v14 =	vmul.f32 $8.000000000e+00, v15;
	v9 =	vor.u32 s11, v1;
	[tilespmem:s24+$0xFFFFFF00] =	vst v16  }
.LBB2_13:
0x15d: {  	p1 =	slt.u32 s0, $0x38;
	s11 =	sadd.s32 $0x1, s25;
	v15 =	vor.u32 s1, v1;
	v16 =	vld.idx.msk [tilespmem:v12+s13+$0x0], $0xffff;
	[tilespmem:s24+$0xFFFFFF80] =	vst v13;
	v12 =	vmul.f32 $8.000000000e+00, v7  }
0x15e: {  	s1 =	sadd.s32 $0x2, s25;
	v13 =	vor.u32 s11, v1;
	v17 =	vld.idx.msk [tilespmem:v8+s13+$0x0], $0xffff;
	[tilespmem:s24+$0x0] =	vst v14;
	v8 =	vmul.f32 $8.000000000e+00, v2  }
0x15f: {  	v14 =	vor.u32 s1, v1;
	s1 =	sadd.s32 $0x3, s25;
	v7 =	vld.idx.msk [tilespmem:v11+s13+$0x0], $0xffff;
	v11 =	vmul.f32 $8.000000000e+00, v3;
	[tilespmem:s24+$0x80] =	vst v12  }
.Ltmp5:
0x160: {  	v12 =	vor.u32 s1, v1;
	s1 =	sadd.s32 $0x4, s25;
	v2 =	vld.idx.msk [tilespmem:v10+s13+$0x0], $0xffff;
	v10 =	vmul.f32 $8.000000000e+00, v5;
	[tilespmem:s24+$0x100] =	vst v8;
	(pc) =	sbr.rel @p1 .LBB2_13-.Ltmp5, $4  }
0x161: {  	v8 =	vor.u32 s1, v1;
	s1 =	sadd.s32 $0x5, s25;
	v3 =	vld.idx.msk [tilespmem:v9+s13+$0x0], $0xffff;
	v9 =	vmul.f32 $8.000000000e+00, v4;
	[tilespmem:s24+$0xFFFFFE00] =	vst v11;
	s24 =	sadd.s32 $0x400, s24  }
0x162: {  	v11 =	vor.u32 s1, v1;
	s1 =	sadd.s32 $0x6, s25;
	v5 =	vld.idx.msk [tilespmem:v15+s13+$0x0], $0xffff;
	v15 =	vmul.f32 $8.000000000e+00, v6;
	[tilespmem:s24+$0x180] =	vst v10  }
0x163: {  	v10 =	vor.u32 s1, v1;
	v4 =	vld.idx.msk [tilespmem:v13+s13+$0x0], $0xffff;
	[tilespmem:s24+$0xFFFFFE80] =	vst v9;
	v13 =	vmul.f32 $8.000000000e+00, v16  }
0x164: {  	s1 =	sadd.s32 $0x7, s0;
	v9 =	vor.u32 s25, v1;
	s25 =	smov.u32 s0;
	s0 =	sadd.s32 $0x8, s0;
	v6 =	vld.idx.msk [tilespmem:v14+s13+$0x0], $0xffff;
	[tilespmem:s24+$0xFFFFFF00] =	vst v15;
	v14 =	vmul.f32 $8.000000000e+00, v17  }
0x165: {  	_ =	sdelay $0x2  }
0x166: {  	[tilespmem:s24+$0xFFFFFF80] =	vst v13;
	v7 =	vmul.f32 $8.000000000e+00, v7  }
0x167: {  	s0 =	sadd.s32 $0x1, s25;
	v13 =	vor.u32 s1, v1;
	v12 =	vld.idx.msk [tilespmem:v12+s13+$0x0], $0xffff;
	v2 =	vmul.f32 $8.000000000e+00, v2;
	[tilespmem:s24+$0x0] =	vst v14  }
0x168: {  	s11 =	sadd.s32 $0x2, s25;
	v8 =	vld.idx.msk [tilespmem:v8+s13+$0x0], $0xffff;
	v14 =	vor.u32 s0, v1;
	v3 =	vmul.f32 $8.000000000e+00, v3;
	[tilespmem:s24+$0x80] =	vst v7  }
0x169: {  	s26 =	sadd.s32 $0x3, s25;
	v9 =	vld.idx.msk [tilespmem:v9+s13+$0x0], $0xffff;
	v7 =	vor.u32 s11, v1;
	v5 =	vmul.f32 $8.000000000e+00, v5;
	[tilespmem:s24+$0x100] =	vst v2  }
0x16a: {  	v11 =	vld.idx.msk [tilespmem:v11+s13+$0x0], $0xffff;
	s28 =	sadd.s32 $0x4, s25;
	s29 =	sadd.s32 $0x400, s24;
	v2 =	vor.u32 s26, v1;
	v4 =	vmul.f32 $8.000000000e+00, v4;
	[tilespmem:s24+$0xFFFFFE00] =	vst v3  }
0x16b: {  	v10 =	vld.idx.msk [tilespmem:v10+s13+$0x0], $0xffff;
	s30 =	sadd.s32 $0x5, s25;
	v3 =	vor.u32 s28, v1;
	v6 =	vmul.f32 $8.000000000e+00, v6;
	[tilespmem:s29+$0x180] =	vst v5  }
0x16c: {  	s31 =	sadd.s32 $0x6, s25;
	v5 =	vor.u32 s30, v1;
	v13 =	vld.idx.msk [tilespmem:v13+s13+$0x0], $0xffff;
	[tilespmem:s29+$0xFFFFFE80] =	vst v4;
	v4 =	vmul.f32 $8.000000000e+00, v12  }
0x16d: {  	v12 =	vld.idx.msk [tilespmem:v14+s13+$0x0], $0xffff;
	v14 =	vor.u32 s31, v1;
	[tilespmem:s29+$0xFFFFFF00] =	vst v6;
	v6 =	vmul.f32 $8.000000000e+00, v8  }
0x16e: {  	v1 =	vor.u32 s25, v1;
	v8 =	vmul.f32 $8.000000000e+00, v9;
	v7 =	vld.idx.msk [tilespmem:v7+s13+$0x0], $0xffff;
	[tilespmem:s29+$0xFFFFFF80] =	vst v4  }
0x16f: {  	v4 =	vmul.f32 $8.000000000e+00, v11;
	v2 =	vld.idx.msk [tilespmem:v2+s13+$0x0], $0xffff;
	[tilespmem:s29+$0x0] =	vst v6  }
0x170: {  	v6 =	vmul.f32 $8.000000000e+00, v10;
	v3 =	vld.idx.msk [tilespmem:v3+s13+$0x0], $0xffff;
	[tilespmem:s29+$0xFFFFFE00] =	vst v8  }
0x171: {  	[tilespmem:s29+$0x80] =	vst v4;
	v4 =	vld.idx.msk [tilespmem:v5+s13+$0x0], $0xffff;
	v5 =	vmul.f32 $8.000000000e+00, v13  }
0x172: {  	s11 =	sadd.s32 $0x400, s29;
	[tilespmem:s29+$0x100] =	vst v6;
	v6 =	vld.idx.msk [tilespmem:v14+s13+$0x0], $0xffff;
	v9 =	vmul.f32 $8.000000000e+00, v12  }
0x173: {  	v1 =	vld.idx.msk [tilespmem:v1+s13+$0x0], $0xffff;
	v7 =	vmul.f32 $8.000000000e+00, v7;
	[tilespmem:s11+$0x180] =	vst v5  }
0x174: {  	v2 =	vmul.f32 $8.000000000e+00, v2;
	[tilespmem:s11+$0xFFFFFE80] =	vst v9  }
0x175: {  	v3 =	vmul.f32 $8.000000000e+00, v3;
	[tilespmem:s11+$0xFFFFFF00] =	vst v7  }
0x176: {  	[tilespmem:s11+$0xFFFFFF80] =	vst v2;
	v2 =	vmul.f32 $8.000000000e+00, v4  }
0x177: {  	[tilespmem:s11+$0x0] =	vst v3;
	v3 =	vmul.f32 $8.000000000e+00, v6  }
0x178: {  	v1 =	vmul.f32 $8.000000000e+00, v1;
	[tilespmem:s11+$0x80] =	vst v2  }
0x179: {  	[tilespmem:s11+$0x100] =	vst v3  }
0x17a: {  	[tilespmem:s11+$0xFFFFFE00] =	vst v1  }
0x17b: {  	v1 =	vld [tilespmem:s21+$0x60];
	_ =	sdelay $0x2  }
0x17c: {  	s24 =	sor.u32 $0x60, s22  }
0x17d: {  	v2 =	vmov s24  }
0x17e: {  	v2 =	vshll.u32 v2, $0x7;
	v1 =	vshll.u32 v1, $0x6  }
0x17f: {  	v2 =	vor.u32 v0, v2;
	v1 =	vand.u32 $0x40, v1  }
0x180: {  	s25 =	simm.s32 $0x7;
	v1 =	vor.u32 v2, v1  }
0x181: {  	s26 =	simm.s32 $0x1;
	v2 =	vor.u32 s25, v1  }
0x182: {  	s28 =	simm.s32 $0x2;
	v3 =	vor.u32 s26, v1  }
0x183: {  	s29 =	simm.s32 $0x3;
	v4 =	vor.u32 s28, v1  }
0x184: {  	s30 =	simm.s32 $0x4;
	v5 =	vor.u32 s29, v1  }
0x185: {  	s31 =	simm.s32 $0x5;
	v6 =	vor.u32 s30, v1  }
0x186: {  	s24 =	simm.s32 $0xF;
	v7 =	vor.u32 s31, v1;
	v8 =	vld.idx.msk [tilespmem:v2+s13+$0x0], $0xffff  }
0x187: {  	s1 =	simm.s32 $0x6;
	v10 =	vor.u32 s24, v1;
	v9 =	vld.idx.msk [tilespmem:v3+s13+$0x0], $0xffff  }
0x188: {  	s11 =	simm.s32 $0x0;
	v2 =	vor.u32 s1, v1;
	v4 =	vld.idx.msk [tilespmem:v4+s13+$0x0], $0xffff  }
0x189: {  	s25 =	simm.s32 $0x9;
	v3 =	vor.u32 s11, v1;
	v13 =	vld.idx.msk [tilespmem:v5+s13+$0x0], $0xffff  }
0x18a: {  	s26 =	simm.s32 $0xA;
	v14 =	vor.u32 s25, v1;
	v15 =	vld.idx.msk [tilespmem:v6+s13+$0x0], $0xffff  }
0x18b: {  	s28 =	simm.s32 $0xB;
	v6 =	vor.u32 s26, v1;
	v7 =	vld.idx.msk [tilespmem:v7+s13+$0x0], $0xffff  }
0x18c: {  	s29 =	simm.s32 $0xC;
	v12 =	vor.u32 s28, v1;
	v5 =	vld.idx.msk [tilespmem:v10+s13+$0x0], $0xffff;
	v11 =	vmul.f32 $8.000000000e+00, v8  }
0x18d: {  	s30 =	simm.s32 $0xD;
	v2 =	vld.idx.msk [tilespmem:v2+s13+$0x0], $0xffff;
	v9 =	vmul.f32 $8.000000000e+00, v9;
	v8 =	vor.u32 s29, v1  }
0x18e: {  	s31 =	simm.s32 $0xE;
	v3 =	vld.idx.msk [tilespmem:v3+s13+$0x0], $0xffff;
	v16 =	vmul.f32 $8.000000000e+00, v4;
	[tilespmem:s23+$0x180] =	vst v11;
	v11 =	vor.u32 s30, v1  }
0x18f: {  	s11 =	simm.s32 $0x8;
	v10 =	vor.u32 s31, v1;
	v4 =	vld.idx.msk [tilespmem:v14+s13+$0x0], $0xffff;
	v13 =	vmul.f32 $8.000000000e+00, v13;
	[tilespmem:s23+$0xFFFFFE80] =	vst v9  }
0x190: {  	s0 =	simm.s32 $0x18;
	s24 =	simm.s32 $0x10;
	s1 =	simm.s32 $0x17;
	v6 =	vld.idx.msk [tilespmem:v6+s13+$0x0], $0xffff;
	v14 =	vmul.f32 $8.000000000e+00, v15;
	v9 =	vor.u32 s11, v1;
	[tilespmem:s23+$0xFFFFFF00] =	vst v16  }
.LBB2_15:
0x191: {  	p1 =	slt.u32 s0, $0x38;
	s11 =	sadd.s32 $0x1, s24;
	v15 =	vor.u32 s1, v1;
	v16 =	vld.idx.msk [tilespmem:v12+s13+$0x0], $0xffff;
	[tilespmem:s23+$0xFFFFFF80] =	vst v13;
	v12 =	vmul.f32 $8.000000000e+00, v7  }
0x192: {  	s1 =	sadd.s32 $0x2, s24;
	v13 =	vor.u32 s11, v1;
	v17 =	vld.idx.msk [tilespmem:v8+s13+$0x0], $0xffff;
	[tilespmem:s23+$0x0] =	vst v14;
	v8 =	vmul.f32 $8.000000000e+00, v2  }
0x193: {  	v14 =	vor.u32 s1, v1;
	s1 =	sadd.s32 $0x3, s24;
	v7 =	vld.idx.msk [tilespmem:v11+s13+$0x0], $0xffff;
	v11 =	vmul.f32 $8.000000000e+00, v3;
	[tilespmem:s23+$0x80] =	vst v12  }
.Ltmp6:
0x194: {  	v12 =	vor.u32 s1, v1;
	s1 =	sadd.s32 $0x4, s24;
	v2 =	vld.idx.msk [tilespmem:v10+s13+$0x0], $0xffff;
	v10 =	vmul.f32 $8.000000000e+00, v5;
	[tilespmem:s23+$0x100] =	vst v8;
	(pc) =	sbr.rel @p1 .LBB2_15-.Ltmp6, $4  }
0x195: {  	v8 =	vor.u32 s1, v1;
	s1 =	sadd.s32 $0x5, s24;
	v3 =	vld.idx.msk [tilespmem:v9+s13+$0x0], $0xffff;
	v9 =	vmul.f32 $8.000000000e+00, v4;
	[tilespmem:s23+$0xFFFFFE00] =	vst v11;
	s23 =	sadd.s32 $0x400, s23  }
0x196: {  	v11 =	vor.u32 s1, v1;
	s1 =	sadd.s32 $0x6, s24;
	v5 =	vld.idx.msk [tilespmem:v15+s13+$0x0], $0xffff;
	v15 =	vmul.f32 $8.000000000e+00, v6;
	[tilespmem:s23+$0x180] =	vst v10  }
0x197: {  	v10 =	vor.u32 s1, v1;
	v4 =	vld.idx.msk [tilespmem:v13+s13+$0x0], $0xffff;
	[tilespmem:s23+$0xFFFFFE80] =	vst v9;
	v13 =	vmul.f32 $8.000000000e+00, v16  }
0x198: {  	s1 =	sadd.s32 $0x7, s0;
	v9 =	vor.u32 s24, v1;
	s24 =	smov.u32 s0;
	s0 =	sadd.s32 $0x8, s0;
	v6 =	vld.idx.msk [tilespmem:v14+s13+$0x0], $0xffff;
	[tilespmem:s23+$0xFFFFFF00] =	vst v15;
	v14 =	vmul.f32 $8.000000000e+00, v17  }
0x199: {  	_ =	sdelay $0x2  }
0x19a: {  	[tilespmem:s23+$0xFFFFFF80] =	vst v13;
	v7 =	vmul.f32 $8.000000000e+00, v7  }
0x19b: {  	s0 =	sadd.s32 $0x1, s24;
	v13 =	vor.u32 s1, v1;
	v12 =	vld.idx.msk [tilespmem:v12+s13+$0x0], $0xffff;
	v2 =	vmul.f32 $8.000000000e+00, v2;
	[tilespmem:s23+$0x0] =	vst v14  }
0x19c: {  	s30 =	sadd.s32 $0x2, s24;
	v8 =	vld.idx.msk [tilespmem:v8+s13+$0x0], $0xffff;
	v14 =	vor.u32 s0, v1;
	v3 =	vmul.f32 $8.000000000e+00, v3;
	[tilespmem:s23+$0x80] =	vst v7  }
0x19d: {  	s31 =	sadd.s32 $0x3, s24;
	v9 =	vld.idx.msk [tilespmem:v9+s13+$0x0], $0xffff;
	v7 =	vor.u32 s30, v1;
	v5 =	vmul.f32 $8.000000000e+00, v5;
	[tilespmem:s23+$0x100] =	vst v2  }
0x19e: {  	v11 =	vld.idx.msk [tilespmem:v11+s13+$0x0], $0xffff;
	s1 =	sadd.s32 $0x4, s24;
	s11 =	sadd.s32 $0x400, s23;
	v2 =	vor.u32 s31, v1;
	v4 =	vmul.f32 $8.000000000e+00, v4;
	[tilespmem:s23+$0xFFFFFE00] =	vst v3  }
0x19f: {  	v10 =	vld.idx.msk [tilespmem:v10+s13+$0x0], $0xffff;
	v3 =	vor.u32 s1, v1;
	s23 =	sadd.s32 $0x5, s24;
	v6 =	vmul.f32 $8.000000000e+00, v6;
	[tilespmem:s11+$0x180] =	vst v5  }
0x1a0: {  	s25 =	sadd.s32 $0x6, s24;
	v5 =	vor.u32 s23, v1;
	v13 =	vld.idx.msk [tilespmem:v13+s13+$0x0], $0xffff;
	[tilespmem:s11+$0xFFFFFE80] =	vst v4;
	v4 =	vmul.f32 $8.000000000e+00, v12  }
0x1a1: {  	v12 =	vld.idx.msk [tilespmem:v14+s13+$0x0], $0xffff;
	v14 =	vor.u32 s25, v1;
	[tilespmem:s11+$0xFFFFFF00] =	vst v6;
	v6 =	vmul.f32 $8.000000000e+00, v8  }
0x1a2: {  	v1 =	vor.u32 s24, v1;
	v8 =	vmul.f32 $8.000000000e+00, v9;
	v7 =	vld.idx.msk [tilespmem:v7+s13+$0x0], $0xffff;
	[tilespmem:s11+$0xFFFFFF80] =	vst v4  }
0x1a3: {  	v4 =	vmul.f32 $8.000000000e+00, v11;
	v2 =	vld.idx.msk [tilespmem:v2+s13+$0x0], $0xffff;
	[tilespmem:s11+$0x0] =	vst v6  }
0x1a4: {  	v6 =	vmul.f32 $8.000000000e+00, v10;
	v3 =	vld.idx.msk [tilespmem:v3+s13+$0x0], $0xffff;
	[tilespmem:s11+$0xFFFFFE00] =	vst v8  }
0x1a5: {  	[tilespmem:s11+$0x80] =	vst v4;
	v4 =	vld.idx.msk [tilespmem:v5+s13+$0x0], $0xffff;
	v5 =	vmul.f32 $8.000000000e+00, v13  }
0x1a6: {  	s26 =	sadd.s32 $0x400, s11;
	[tilespmem:s11+$0x100] =	vst v6;
	v6 =	vld.idx.msk [tilespmem:v14+s13+$0x0], $0xffff;
	v9 =	vmul.f32 $8.000000000e+00, v12  }
0x1a7: {  	v1 =	vld.idx.msk [tilespmem:v1+s13+$0x0], $0xffff;
	v7 =	vmul.f32 $8.000000000e+00, v7;
	[tilespmem:s26+$0x180] =	vst v5  }
0x1a8: {  	v2 =	vmul.f32 $8.000000000e+00, v2;
	[tilespmem:s26+$0xFFFFFE80] =	vst v9  }
0x1a9: {  	v3 =	vmul.f32 $8.000000000e+00, v3;
	[tilespmem:s26+$0xFFFFFF00] =	vst v7  }
0x1aa: {  	[tilespmem:s26+$0xFFFFFF80] =	vst v2;
	v2 =	vmul.f32 $8.000000000e+00, v4  }
0x1ab: {  	[tilespmem:s26+$0x0] =	vst v3;
	v3 =	vmul.f32 $8.000000000e+00, v6  }
0x1ac: {  	v1 =	vmul.f32 $8.000000000e+00, v1;
	[tilespmem:s26+$0x80] =	vst v2  }
0x1ad: {  	[tilespmem:s26+$0x100] =	vst v3  }
0x1ae: {  	[tilespmem:s26+$0xFFFFFE00] =	vst v1  }
0x1af: {  	v1 =	vld [tilespmem:s21+$0x70];
	_ =	sdelay $0x2  }
0x1b0: {  	s28 =	sor.u32 $0x70, s22  }
0x1b1: {  	v2 =	vmov s28  }
0x1b2: {  	v2 =	vshll.u32 v2, $0x7;
	v1 =	vshll.u32 v1, $0x6  }
0x1b3: {  	v2 =	vor.u32 v0, v2;
	v1 =	vand.u32 $0x40, v1  }
0x1b4: {  	s29 =	simm.s32 $0x7;
	v1 =	vor.u32 v2, v1  }
0x1b5: {  	s30 =	simm.s32 $0x1;
	v2 =	vor.u32 s29, v1  }
0x1b6: {  	s31 =	simm.s32 $0x2;
	v3 =	vor.u32 s30, v1  }
0x1b7: {  	s1 =	simm.s32 $0x3;
	v4 =	vor.u32 s31, v1  }
0x1b8: {  	s11 =	simm.s32 $0x4;
	v5 =	vor.u32 s1, v1  }
0x1b9: {  	s21 =	simm.s32 $0x5;
	v6 =	vor.u32 s11, v1  }
0x1ba: {  	s24 =	simm.s32 $0xF;
	v7 =	vor.u32 s21, v1;
	v8 =	vld.idx.msk [tilespmem:v2+s13+$0x0], $0xffff  }
0x1bb: {  	s22 =	simm.s32 $0x6;
	v10 =	vor.u32 s24, v1;
	v9 =	vld.idx.msk [tilespmem:v3+s13+$0x0], $0xffff  }
0x1bc: {  	s23 =	simm.s32 $0x0;
	v2 =	vor.u32 s22, v1;
	v4 =	vld.idx.msk [tilespmem:v4+s13+$0x0], $0xffff  }
0x1bd: {  	s25 =	simm.s32 $0x9;
	v3 =	vor.u32 s23, v1;
	v13 =	vld.idx.msk [tilespmem:v5+s13+$0x0], $0xffff  }
0x1be: {  	s26 =	simm.s32 $0xA;
	v14 =	vor.u32 s25, v1;
	v15 =	vld.idx.msk [tilespmem:v6+s13+$0x0], $0xffff  }
0x1bf: {  	s28 =	simm.s32 $0xB;
	v6 =	vor.u32 s26, v1;
	v7 =	vld.idx.msk [tilespmem:v7+s13+$0x0], $0xffff  }
0x1c0: {  	s29 =	simm.s32 $0xC;
	v12 =	vor.u32 s28, v1;
	v5 =	vld.idx.msk [tilespmem:v10+s13+$0x0], $0xffff;
	v11 =	vmul.f32 $8.000000000e+00, v8  }
0x1c1: {  	s30 =	simm.s32 $0xD;
	v2 =	vld.idx.msk [tilespmem:v2+s13+$0x0], $0xffff;
	v9 =	vmul.f32 $8.000000000e+00, v9;
	v8 =	vor.u32 s29, v1  }
0x1c2: {  	s31 =	simm.s32 $0xE;
	v3 =	vld.idx.msk [tilespmem:v3+s13+$0x0], $0xffff;
	v16 =	vmul.f32 $8.000000000e+00, v4;
	[tilespmem:s20+$0x180] =	vst v11;
	v11 =	vor.u32 s30, v1  }
0x1c3: {  	s11 =	simm.s32 $0x8;
	v10 =	vor.u32 s31, v1;
	v4 =	vld.idx.msk [tilespmem:v14+s13+$0x0], $0xffff;
	v13 =	vmul.f32 $8.000000000e+00, v13;
	[tilespmem:s20+$0xFFFFFE80] =	vst v9  }
0x1c4: {  	s0 =	simm.s32 $0x18;
	s21 =	simm.s32 $0x10;
	s1 =	simm.s32 $0x17;
	v6 =	vld.idx.msk [tilespmem:v6+s13+$0x0], $0xffff;
	v14 =	vmul.f32 $8.000000000e+00, v15;
	v9 =	vor.u32 s11, v1;
	[tilespmem:s20+$0xFFFFFF00] =	vst v16  }
.LBB2_17:
0x1c5: {  	p1 =	slt.u32 s0, $0x38;
	s11 =	sadd.s32 $0x1, s21;
	v15 =	vor.u32 s1, v1;
	v16 =	vld.idx.msk [tilespmem:v12+s13+$0x0], $0xffff;
	[tilespmem:s20+$0xFFFFFF80] =	vst v13;
	v12 =	vmul.f32 $8.000000000e+00, v7  }
0x1c6: {  	s1 =	sadd.s32 $0x2, s21;
	v13 =	vor.u32 s11, v1;
	v17 =	vld.idx.msk [tilespmem:v8+s13+$0x0], $0xffff;
	[tilespmem:s20+$0x0] =	vst v14;
	v8 =	vmul.f32 $8.000000000e+00, v2  }
0x1c7: {  	v14 =	vor.u32 s1, v1;
	s1 =	sadd.s32 $0x3, s21;
	v7 =	vld.idx.msk [tilespmem:v11+s13+$0x0], $0xffff;
	v11 =	vmul.f32 $8.000000000e+00, v3;
	[tilespmem:s20+$0x80] =	vst v12  }
.Ltmp7:
0x1c8: {  	v12 =	vor.u32 s1, v1;
	s1 =	sadd.s32 $0x4, s21;
	v2 =	vld.idx.msk [tilespmem:v10+s13+$0x0], $0xffff;
	v10 =	vmul.f32 $8.000000000e+00, v5;
	[tilespmem:s20+$0x100] =	vst v8;
	(pc) =	sbr.rel @p1 .LBB2_17-.Ltmp7, $4  }
0x1c9: {  	v8 =	vor.u32 s1, v1;
	s1 =	sadd.s32 $0x5, s21;
	v3 =	vld.idx.msk [tilespmem:v9+s13+$0x0], $0xffff;
	v9 =	vmul.f32 $8.000000000e+00, v4;
	[tilespmem:s20+$0xFFFFFE00] =	vst v11;
	s20 =	sadd.s32 $0x400, s20  }
0x1ca: {  	v11 =	vor.u32 s1, v1;
	s1 =	sadd.s32 $0x6, s21;
	v5 =	vld.idx.msk [tilespmem:v15+s13+$0x0], $0xffff;
	v15 =	vmul.f32 $8.000000000e+00, v6;
	[tilespmem:s20+$0x180] =	vst v10  }
0x1cb: {  	v10 =	vor.u32 s1, v1;
	v4 =	vld.idx.msk [tilespmem:v13+s13+$0x0], $0xffff;
	[tilespmem:s20+$0xFFFFFE80] =	vst v9;
	v13 =	vmul.f32 $8.000000000e+00, v16  }
0x1cc: {  	s1 =	sadd.s32 $0x7, s0;
	v9 =	vor.u32 s21, v1;
	s21 =	smov.u32 s0;
	s0 =	sadd.s32 $0x8, s0;
	v6 =	vld.idx.msk [tilespmem:v14+s13+$0x0], $0xffff;
	[tilespmem:s20+$0xFFFFFF00] =	vst v15;
	v14 =	vmul.f32 $8.000000000e+00, v17  }
0x1cd: {  	_ =	sdelay $0x2  }
0x1ce: {  	[tilespmem:s20+$0xFFFFFF80] =	vst v13;
	v7 =	vmul.f32 $8.000000000e+00, v7  }
0x1cf: {  	s0 =	sadd.s32 $0x1, s21;
	v49 =	vor.u32 s1, v1;
	v12 =	vld.idx.msk [tilespmem:v12+s13+$0x0], $0xffff;
	v2 =	vmul.f32 $8.000000000e+00, v2;
	[tilespmem:s20+$0x0] =	vst v14  }
0x1d0: {  	s22 =	sadd.s32 $0x2, s21;
	v8 =	vld.idx.msk [tilespmem:v8+s13+$0x0], $0xffff;
	v50 =	vor.u32 s0, v1;
	v3 =	vmul.f32 $8.000000000e+00, v3;
	[tilespmem:s20+$0x80] =	vst v7  }
0x1d1: {  	s23 =	sadd.s32 $0x3, s21;
	v11 =	vld.idx.msk [tilespmem:v11+s13+$0x0], $0xffff;
	v51 =	vor.u32 s22, v1;
	v5 =	vmul.f32 $8.000000000e+00, v5;
	[tilespmem:s20+$0x100] =	vst v2  }
0x1d2: {  	s24 =	sadd.s32 $0x4, s21;
	v10 =	vld.idx.msk [tilespmem:v10+s13+$0x0], $0xffff;
	s25 =	sadd.s32 $0x400, s20;
	s26 =	sadd.s32 $0x5, s21;
	v2 =	vor.u32 s23, v1;
	v4 =	vmul.f32 $8.000000000e+00, v4;
	[tilespmem:s20+$0xFFFFFE00] =	vst v3  }
0x1d3: {  	v9 =	vld.idx.msk [tilespmem:v9+s13+$0x0], $0xffff;
	s28 =	sadd.s32 $0x6, s21;
	v52 =	vor.u32 s26, v1;
	v3 =	vor.u32 s24, v1;
	v6 =	vmul.f32 $8.000000000e+00, v6;
	[tilespmem:s25+$0x180] =	vst v5  }
0x1d4: {  	v55 =	vor.u32 s28, v1;
	v1 =	vor.u32 s21, v1;
	v13 =	vld.idx.msk [tilespmem:v49+s13+$0x0], $0xffff;
	[tilespmem:s25+$0xFFFFFE80] =	vst v4;
	v53 =	vmul.f32 $8.000000000e+00, v12  }
0x1d5: {  	v56 =	vmul.f32 $8.000000000e+00, v8;
	v54 =	vld.idx.msk [tilespmem:v50+s13+$0x0], $0xffff;
	[tilespmem:s25+$0xFFFFFF00] =	vst v6  }
0x1d6: {  	v57 =	vmul.f32 $8.000000000e+00, v11;
	v7 =	vld.idx.msk [tilespmem:v51+s13+$0x0], $0xffff;
	[tilespmem:s25+$0xFFFFFF80] =	vst v53  }
0x1d7: {  	v58 =	vmul.f32 $8.000000000e+00, v10;
	v2 =	vld.idx.msk [tilespmem:v2+s13+$0x0], $0xffff;
	[tilespmem:s25+$0x0] =	vst v56  }
0x1d8: {  	v59 =	vmul.f32 $8.000000000e+00, v9;
	[tilespmem:s25+$0x80] =	vst v57;
	v3 =	vld.idx.msk [tilespmem:v3+s13+$0x0], $0xffff  }
0x1d9: {  	[tilespmem:s25+$0x100] =	vst v58;
	v1 =	vld.idx.msk [tilespmem:v1+s13+$0x0], $0xffff;
	v61 =	vmul.f32 $8.000000000e+00, v13  }
0x1da: {  	s29 =	sadd.s32 $0x400, s25;
	v60 =	vld.idx.msk [tilespmem:v52+s13+$0x0], $0xffff;
	[tilespmem:s25+$0xFFFFFE00] =	vst v59;
	v63 =	vmul.f32 $8.000000000e+00, v54  }
0x1db: {  	v62 =	vld.idx.msk [tilespmem:v55+s13+$0x0], $0xffff;
	v7 =	vmul.f32 $8.000000000e+00, v7;
	[tilespmem:s29+$0x180] =	vst v61  }
0x1dc: {  	v2 =	vmul.f32 $8.000000000e+00, v2;
	[tilespmem:s29+$0xFFFFFE80] =	vst v63  }
0x1dd: {  	[tilespmem:s29+$0xFFFFFF00] =	vst v7;
	v3 =	vmul.f32 $8.000000000e+00, v3  }
0x1de: {  	p1 =	sne.s32 s17, $0xC8;
	v1 =	vmul.f32 $8.000000000e+00, v1;
	[tilespmem:s29+$0xFFFFFF80] =	vst v2  }
.Ltmp8:
0x1df: {  	s30 =	sshll.u32 s18, $0x12;
	v2 =	vmul.f32 $8.000000000e+00, v60;
	[tilespmem:s29+$0x0] =	vst v3;
	(pc) =	sbr.rel @p1 .LBB2_2-.Ltmp8, $4  }
0x1e0: {  	s11 =	sshll.u32 s19, $0xD;
	s1 =	sor.u32 s5, s30;
	v3 =	vmul.f32 $8.000000000e+00, v62;
	[tilespmem:s29+$0xFFFFFE00] =	vst v1  }
0x1e1: {  	s31 =	sadd.s32 $0x3, s19;
	p0 =	por !p0, !p0;
	s1 =	sshrl.u32 s1, $0x3;
	[tilespmem:s29+$0x80] =	vst v2  }
0x1e2: {  	s18 =	smov.u32 s17;
	s11 =	sadd.s32 $0xE500, s11;
	s1 =	sadd.s32 s3, s1;
	[tilespmem:s29+$0x100] =	vst v3  }
0x1e3: {  	[hbm4b:s1+s8] =	stream.strided.scatter [tilespmem:s11], [sflag:s31], $0x2000, s9, s8, $0x38;
	[tilespmem:$0x12500] =	vst v63  }
0x1e4: {  	s16 =	sadd.s32 $0x1, s16  }
0x1e5: {  	_ =	swait.ge [sflag:s14], $0x2000;
	p0 =	sne.s32 s16, s7  }
.Ltmp9:
0x1e6: {  	[sflag:s14] =	ssyncset.done $0x0;
	(pc) =	sbr.rel @p0 .LBB2_1-.Ltmp9, $4  }
0x1e7: {  	[sflag:s14] =	ssyncadd.s32 $0xFFFFE000  }
0x1e8: {  	_ =	swait.ge [sflag:s15], $0x2000  }
0x1e9: {  	[sflag:s15] =	ssyncset.done $0x0  }
0x1ea: {  	[sflag:s15] =	ssyncadd.s32 $0xFFFFE000  }
0x1eb: {  	_ =	sfence.sel $0x180000  }
0x1ec: {  	[bflag:$0x0] =	sbarrier.arrive $0xFFFF  }
0x1ed: {  	_ =	strace $0x90000047  }
0x1ee: {  	s0 =	stileid.u32;
	[bflag:$0x2] =	sbarrier.arrive $0xFFFF  }
0x1ef: {  	p0 =	sne.s32 s0, $0x0;
	s0 =	rddreg [dreg:$0x3]  }
0x1f0: {  	s0 =	sadd.s32 @!p0 $0x100000, s0  }
0x1f1: {  	[sflag:s0] =	ssyncadd.tile.s32 @!p0 $0x1;
	_ =	shalt  }
.Lfunc_end2:
_tile_overlayer_lowered:
.L_overlay_start_2:
0x1f2: {  	(tag) =	ssettag $0x2  }
0x1f3: {  	s0 =	rddreg [dreg:$0x0];
	s2 =	stileid.u32  }
0x1f4: {  	s1 =	rddreg [dreg:$0x1];
	p0 =	sne.s32 s2, $0x0  }
0x1f5: {  	s3 =	rddreg [dreg:$0x2];
	[bflag:$0x3] =	sbarrier.arrive $0xFFFF;
	s2 =	simm.s32 @!p0 $0x1C05  }
0x1f6: {  	[timem:s3], [sflag:s2] =	dma.local @!p0 [hbm:s0], s1  }
0x1f7: {  	s0 =	simm.s32 @!p0 $0x5  }
0x1f8: {  	_ =	swait.ge @!p0 [sflag:s0], s1  }
0x1f9: {  	s1 =	ssub.s32 @!p0 $0x0, s1;
	[sflag:s0] =	ssyncset.done @!p0 $0x0  }
0x1fa: {  	[sflag:s0] =	ssyncadd.s32 @!p0 s1  }
0x1fb: {  	[bflag:$0x3] =	sbarrier.arrive $0xFFFF  }
0x1fc: {  	_ =	shalt  }

</sc_bundles>
